<compile_context>
chip_gen: v7x
topology: tpu7x:2x2x1
jax: 0.10.2.dev20260603
libtpu: 0.0.44.dev20260713+nightly
codegen_flags: <defaults>
</compile_context>

<pallas_src>
import functools

import jax
import jax.numpy as jnp
from jax import lax
from jax.experimental import pallas as pl
from jax.experimental.pallas import tpu as pltpu
from jax.experimental.pallas import tpu_sc as plsc

N = 16384
NUM_CLASSES = 1000
NC = 2
NS = 16
NW = NC * NS
RPW = N // NW
R = 32
G = RPW // R
NRING = 3

_mesh = plsc.VectorSubcoreMesh(core_axis_name="c", subcore_axis_name="s", num_cores=NC)


@functools.partial(
    pl.kernel,
    out_type=jax.ShapeDtypeStruct((N, NUM_CLASSES), jnp.int32),
    mesh=_mesh,
    compiler_params=pltpu.CompilerParams(
        use_tc_tiling_on_sc=True, needs_layout_passes=False
    ),
    scratch_types=[
        pltpu.VMEM((RPW,), jnp.int32),
        pltpu.VMEM((R, NUM_CLASSES), jnp.int32),
        pltpu.VMEM((R, NUM_CLASSES), jnp.int32),
        pltpu.VMEM((R, NUM_CLASSES), jnp.int32),
        pltpu.SemaphoreType.DMA,
        pltpu.SemaphoreType.DMA,
        pltpu.SemaphoreType.DMA,
    ],
)
def _sc_onehot(x_hbm, out_hbm, idx_v, buf0, buf1, buf2, sem0, sem1, sem2):
    bufs = (buf0, buf1, buf2)
    sems = (sem0, sem1, sem2)
    wid = lax.axis_index("s") * NC + lax.axis_index("c")
    base = wid * RPW

    pltpu.sync_copy(x_hbm.at[pl.ds(base, RPW)], idx_v)

    zeros = jnp.zeros((16,), jnp.int32)
    ones = jnp.full((16,), 1, jnp.int32)
    lane = lax.broadcasted_iota(jnp.int32, (16,), 0)

    def _zero_row(r, carry):
        for buf in bufs:
            for c in range(62):
                buf[r, pl.ds(c * 16, 16)] = zeros
            buf[r, pl.ds(NUM_CLASSES - 16, 16)] = zeros
        return carry

    lax.fori_loop(0, R, _zero_row, 0)

    def _scatter(buf, g, val):
        for t in range(R // 16):
            cols = idx_v[pl.ds(g * R + t * 16, 16)]
            plsc.store_scatter(buf, [t * 16 + lane, cols], val)

    for g in range(G):
        b = g % NRING
        if g >= NRING:
            pltpu.make_async_copy(
                bufs[b],
                out_hbm.at[pl.ds(base + (g - NRING) * R, R), :],
                sems[b],
            ).wait()
            _scatter(bufs[b], g - NRING, zeros)
        _scatter(bufs[b], g, ones)
        pltpu.make_async_copy(
            bufs[b],
            out_hbm.at[pl.ds(base + g * R, R), :],
            sems[b],
        ).start()

    for g in range(G - NRING, G):
        b = g % NRING
        pltpu.make_async_copy(
            bufs[b],
            out_hbm.at[pl.ds(base + g * R, R), :],
            sems[b],
        ).wait()


def kernel(x):
    return _sc_onehot(x)

# --- scband reference (transcript-rebuilt; emitter-appended) ---
"""Pipeline reference for scband-one-hot-encode-49563922596193 (READ-ONLY COPY).

The authoritative reference and input builder live on the scoring server;
editing this copy changes nothing except your own understanding.
"""

import jax, jax.numpy as jnp
import numpy as np

NUM_CLASSES = 1000

def setup_inputs(seed: int = 0) -> dict:
    key = jax.random.key(seed)
    x = jax.random.randint(key, (16384,), 0, NUM_CLASSES, dtype=jnp.int32)
    return {"x": x}

def reference(x) -> jnp.ndarray:
    # Faithful translation of torch.nn.functional.one_hot(x, num_classes):
    # output is integer-typed with a trailing num_classes dimension.
    oh = (x[..., None] == jnp.arange(NUM_CLASSES, dtype=x.dtype)[None, :]).astype(jnp.int32)
    return oh

if __name__ == "__main__":
    import jax
    _d = setup_inputs()
    print(jax.jit(kernel)(*tuple(_d.values())))

</pallas_src>

<mosaic_0001>
#map = affine_map<(d0, d1) -> (0)>
#map1 = affine_map<(d0, d1) -> (0, 0)>
module attributes {stable_mosaic.version = 14 : i64} {
  func.func @_sc_onehot(%arg0: i32, %arg1: i32, %arg2: memref<16384xi32, #tpu.memory_space<hbm>>, %arg3: memref<16384x1000xi32, #tpu.memory_space<hbm>>, %arg4: memref<512xi32, #tpu.memory_space<vmem>>, %arg5: memref<32x1000xi32, #tpu.memory_space<vmem>>, %arg6: memref<32x1000xi32, #tpu.memory_space<vmem>>, %arg7: memref<32x1000xi32, #tpu.memory_space<vmem>>, %arg8: memref<!tpu.dma_semaphore, #tpu.memory_space<semaphore_mem>>, %arg9: memref<!tpu.dma_semaphore, #tpu.memory_space<semaphore_mem>>, %arg10: memref<!tpu.dma_semaphore, #tpu.memory_space<semaphore_mem>>) attributes {dimension_semantics = [#tpu.dimension_semantics<core_parallel>, #tpu.dimension_semantics<subcore_parallel>], iteration_bounds = array<i64: 2, 16>, scalar_prefetch = 0 : i64, scratch_operands = 7 : i64, tpu.core_type = #tpu.core_type<sc_vector_subcore>, window_params = [{transform_indices = #map}, {transform_indices = #map1}]} {
    %mul3A = arith.constant 2 : i32
    %mul3A_0 = arith.muli %arg1, %mul3A : i32
    %add3A = arith.addi %mul3A_0, %arg0 : i32
    %mul3A_1 = arith.constant 512 : i32
    %mul3A_2 = arith.muli %add3A, %mul3A_1 : i32
    "tpu.region"() ({
      %run_scoped3A = tpu.sem_alloc : memref<!tpu.dma_semaphore, #tpu.memory_space<semaphore_mem>>
      %dma_start3A_490 = tpu.memref_slice %arg2[%mul3A_2] : memref<16384xi32, #tpu.memory_space<hbm>> -> memref<512xi32, #tpu.memory_space<hbm>>
      %dma_start3A_491 = tpu.memref_slice %arg2[%mul3A_2] : memref<16384xi32, #tpu.memory_space<hbm>> -> memref<512xi32, #tpu.memory_space<hbm>>
      tpu.enqueue_dma source(%dma_start3A_491 : memref<512xi32, #tpu.memory_space<hbm>>) target(%arg4 : memref<512xi32, #tpu.memory_space<vmem>>) target_semaphore(%run_scoped3A : memref<!tpu.dma_semaphore, #tpu.memory_space<semaphore_mem>>)
      %dma_wait3A_492 = tpu.memref_slice %arg2[%mul3A_2] : memref<16384xi32, #tpu.memory_space<hbm>> -> memref<512xi32, #tpu.memory_space<hbm>>
      %dma_wait3A_493 = tpu.memref_slice %arg2[%mul3A_2] : memref<16384xi32, #tpu.memory_space<hbm>> -> memref<512xi32, #tpu.memory_space<hbm>>
      tpu.wait_dma2 semaphore(%run_scoped3A : memref<!tpu.dma_semaphore, #tpu.memory_space<semaphore_mem>>) src(%dma_wait3A_493 : memref<512xi32, #tpu.memory_space<hbm>>) dst(%arg4 : memref<512xi32, #tpu.memory_space<vmem>>)
      tpu.yield
    }) : () -> ()
    %broadcast_in_dim3A = arith.constant 0 : i32
    %broadcast_in_dim3A_3 = vector.broadcast %broadcast_in_dim3A : i32 to vector<16xi32>
    %broadcast_in_dim3A_4 = arith.constant 1 : i32
    %broadcast_in_dim3A_5 = vector.broadcast %broadcast_in_dim3A_4 : i32 to vector<16xi32>
    %iota3A = tpu.iota {dimensions = array<i32: 0>} : vector<16xi32>
    %scan3A = arith.constant 0 : i32
    %scan3A_6 = arith.constant 0 : i32
    %scan3A_7 = arith.constant 32 : i32
    %scan3A_8 = arith.addi %scan3A_6, %scan3A_7 : i32
    %scan3A_9 = arith.constant 1 : i32
    scf.for %scan3A_490 = %scan3A_6 to %scan3A_8 step %scan3A_9  : i32 {
      %swap3A = arith.index_cast %scan3A_490 : i32 to index
      %swap3A_491 = arith.constant 0 : index
      %swap3A_492 = tpu.vector_load %arg5[%swap3A, %swap3A_491] {strides = array<i32>} : memref<32x1000xi32, #tpu.memory_space<vmem>>, vector<16xi32>,
      tpu.vector_store %arg5[%swap3A, %swap3A_491], %broadcast_in_dim3A_3 {strides = array<i32>} : memref<32x1000xi32, #tpu.memory_space<vmem>>, vector<16xi32>,
      %swap3A_493 = arith.index_cast %scan3A_490 : i32 to index
      %swap3A_494 = arith.constant 16 : index
      %swap3A_495 = tpu.vector_load %arg5[%swap3A_493, %swap3A_494] {strides = array<i32>} : memref<32x1000xi32, #tpu.memory_space<vmem>>, vector<16xi32>,
      tpu.vector_store %arg5[%swap3A_493, %swap3A_494], %broadcast_in_dim3A_3 {strides = array<i32>} : memref<32x1000xi32, #tpu.memory_space<vmem>>, vector<16xi32>,
      %swap3A_496 = arith.index_cast %scan3A_490 : i32 to index
      %swap3A_497 = arith.constant 32 : index
      %swap3A_498 = tpu.vector_load %arg5[%swap3A_496, %swap3A_497] {strides = array<i32>} : memref<32x1000xi32, #tpu.memory_space<vmem>>, vector<16xi32>,
      tpu.vector_store %arg5[%swap3A_496, %swap3A_497], %broadcast_in_dim3A_3 {strides = array<i32>} : memref<32x1000xi32, #tpu.memory_space<vmem>>, vector<16xi32>,
      %swap3A_499 = arith.index_cast %scan3A_490 : i32 to index
      %swap3A_500 = arith.constant 48 : index
      %swap3A_501 = tpu.vector_load %arg5[%swap3A_499, %swap3A_500] {strides = array<i32>} : memref<32x1000xi32, #tpu.memory_space<vmem>>, vector<16xi32>,
      tpu.vector_store %arg5[%swap3A_499, %swap3A_500], %broadcast_in_dim3A_3 {strides = array<i32>} : memref<32x1000xi32, #tpu.memory_space<vmem>>, vector<16xi32>,
      %swap3A_502 = arith.index_cast %scan3A_490 : i32 to index
      %swap3A_503 = arith.constant 64 : index
      %swap3A_504 = tpu.vector_load %arg5[%swap3A_502, %swap3A_503] {strides = array<i32>} : memref<32x1000xi32, #tpu.memory_space<vmem>>, vector<16xi32>,
      tpu.vector_store %arg5[%swap3A_502, %swap3A_503], %broadcast_in_dim3A_3 {strides = array<i32>} : memref<32x1000xi32, #tpu.memory_space<vmem>>, vector<16xi32>,
      %swap3A_505 = arith.index_cast %scan3A_490 : i32 to index
      %swap3A_506 = arith.constant 80 : index
      %swap3A_507 = tpu.vector_load %arg5[%swap3A_505, %swap3A_506] {strides = array<i32>} : memref<32x1000xi32, #tpu.memory_space<vmem>>, vector<16xi32>,
      tpu.vector_store %arg5[%swap3A_505, %swap3A_506], %broadcast_in_dim3A_3 {strides = array<i32>} : memref<32x1000xi32, #tpu.memory_space<vmem>>, vector<16xi32>,
      %swap3A_508 = arith.index_cast %scan3A_490 : i32 to index
      %swap3A_509 = arith.constant 96 : index
      %swap3A_510 = tpu.vector_load %arg5[%swap3A_508, %swap3A_509] {strides = array<i32>} : memref<32x1000xi32, #tpu.memory_space<vmem>>, vector<16xi32>,
      tpu.vector_store %arg5[%swap3A_508, %swap3A_509], %broadcast_in_dim3A_3 {strides = array<i32>} : memref<32x1000xi32, #tpu.memory_space<vmem>>, vector<16xi32>,
      %swap3A_511 = arith.index_cast %scan3A_490 : i32 to index
      %swap3A_512 = arith.constant 112 : index
      %swap3A_513 = tpu.vector_load %arg5[%swap3A_511, %swap3A_512] {strides = array<i32>} : memref<32x1000xi32, #tpu.memory_space<vmem>>, vector<16xi32>,
      tpu.vector_store %arg5[%swap3A_511, %swap3A_512], %broadcast_in_dim3A_3 {strides = array<i32>} : memref<32x1000xi32, #tpu.memory_space<vmem>>, vector<16xi32>,
      %swap3A_514 = arith.index_cast %scan3A_490 : i32 to index
      %swap3A_515 = arith.constant 128 : index
      %swap3A_516 = tpu.vector_load %arg5[%swap3A_514, %swap3A_515] {strides = array<i32>} : memref<32x1000xi32, #tpu.memory_space<vmem>>, vector<16xi32>,
      tpu.vector_store %arg5[%swap3A_514, %swap3A_515], %broadcast_in_dim3A_3 {strides = array<i32>} : memref<32x1000xi32, #tpu.memory_space<vmem>>, vector<16xi32>,
      %swap3A_517 = arith.index_cast %scan3A_490 : i32 to index
      %swap3A_518 = arith.constant 144 : index
      %swap3A_519 = tpu.vector_load %arg5[%swap3A_517, %swap3A_518] {strides = array<i32>} : memref<32x1000xi32, #tpu.memory_space<vmem>>, vector<16xi32>,
      tpu.vector_store %arg5[%swap3A_517, %swap3A_518], %broadcast_in_dim3A_3 {strides = array<i32>} : memref<32x1000xi32, #tpu.memory_space<vmem>>, vector<16xi32>,
      %swap3A_520 = arith.index_cast %scan3A_490 : i32 to index
      %swap3A_521 = arith.constant 160 : index
      %swap3A_522 = tpu.vector_load %arg5[%swap3A_520, %swap3A_521] {strides = array<i32>} : memref<32x1000xi32, #tpu.memory_space<vmem>>, vector<16xi32>,
      tpu.vector_store %arg5[%swap3A_520, %swap3A_521], %broadcast_in_dim3A_3 {strides = array<i32>} : memref<32x1000xi32, #tpu.memory_space<vmem>>, vector<16xi32>,
      %swap3A_523 = arith.index_cast %scan3A_490 : i32 to index
      %swap3A_524 = arith.constant 176 : index
      %swap3A_525 = tpu.vector_load %arg5[%swap3A_523, %swap3A_524] {strides = array<i32>} : memref<32x1000xi32, #tpu.memory_space<vmem>>, vector<16xi32>,
      tpu.vector_store %arg5[%swap3A_523, %swap3A_524], %broadcast_in_dim3A_3 {strides = array<i32>} : memref<32x1000xi32, #tpu.memory_space<vmem>>, vector<16xi32>,
      %swap3A_526 = arith.index_cast %scan3A_490 : i32 to index
      %swap3A_527 = arith.constant 192 : index
      %swap3A_528 = tpu.vector_load %arg5[%swap3A_526, %swap3A_527] {strides = array<i32>} : memref<32x1000xi32, #tpu.memory_space<vmem>>, vector<16xi32>,
      tpu.vector_store %arg5[%swap3A_526, %swap3A_527], %broadcast_in_dim3A_3 {strides = array<i32>} : memref<32x1000xi32, #tpu.memory_space<vmem>>, vector<16xi32>,
      %swap3A_529 = arith.index_cast %scan3A_490 : i32 to index
      %swap3A_530 = arith.constant 208 : index
      %swap3A_531 = tpu.vector_load %arg5[%swap3A_529, %swap3A_530] {strides = array<i32>} : memref<32x1000xi32, #tpu.memory_space<vmem>>, vector<16xi32>,
      tpu.vector_store %arg5[%swap3A_529, %swap3A_530], %broadcast_in_dim3A_3 {strides = array<i32>} : memref<32x1000xi32, #tpu.memory_space<vmem>>, vector<16xi32>,
      %swap3A_532 = arith.index_cast %scan3A_490 : i32 to index
      %swap3A_533 = arith.constant 224 : index
      %swap3A_534 = tpu.vector_load %arg5[%swap3A_532, %swap3A_533] {strides = array<i32>} : memref<32x1000xi32, #tpu.memory_space<vmem>>, vector<16xi32>,
      tpu.vector_store %arg5[%swap3A_532, %swap3A_533], %broadcast_in_dim3A_3 {strides = array<i32>} : memref<32x1000xi32, #tpu.memory_space<vmem>>, vector<16xi32>,
      %swap3A_535 = arith.index_cast %scan3A_490 : i32 to index
      %swap3A_536 = arith.constant 240 : index
      %swap3A_537 = tpu.vector_load %arg5[%swap3A_535, %swap3A_536] {strides = array<i32>} : memref<32x1000xi32, #tpu.memory_space<vmem>>, vector<16xi32>,
      tpu.vector_store %arg5[%swap3A_535, %swap3A_536], %broadcast_in_dim3A_3 {strides = array<i32>} : memref<32x1000xi32, #tpu.memory_space<vmem>>, vector<16xi32>,
      %swap3A_538 = arith.index_cast %scan3A_490 : i32 to index
      %swap3A_539 = arith.constant 256 : index
      %swap3A_540 = tpu.vector_load %arg5[%swap3A_538, %swap3A_539] {strides = array<i32>} : memref<32x1000xi32, #tpu.memory_space<vmem>>, vector<16xi32>,
      tpu.vector_store %arg5[%swap3A_538, %swap3A_539], %broadcast_in_dim3A_3 {strides = array<i32>} : memref<32x1000xi32, #tpu.memory_space<vmem>>, vector<16xi32>,
      %swap3A_541 = arith.index_cast %scan3A_490 : i32 to index
      %swap3A_542 = arith.constant 272 : index
      %swap3A_543 = tpu.vector_load %arg5[%swap3A_541, %swap3A_542] {strides = array<i32>} : memref<32x1000xi32, #tpu.memory_space<vmem>>, vector<16xi32>,
      tpu.vector_store %arg5[%swap3A_541, %swap3A_542], %broadcast_in_dim3A_3 {strides = array<i32>} : memref<32x1000xi32, #tpu.memory_space<vmem>>, vector<16xi32>,
      %swap3A_544 = arith.index_cast %scan3A_490 : i32 to index
      %swap3A_545 = arith.constant 288 : index
      %swap3A_546 = tpu.vector_load %arg5[%swap3A_544, %swap3A_545] {strides = array<i32>} : memref<32x1000xi32, #tpu.memory_space<vmem>>, vector<16xi32>,
      tpu.vector_store %arg5[%swap3A_544, %swap3A_545], %broadcast_in_dim3A_3 {strides = array<i32>} : memref<32x1000xi32, #tpu.memory_space<vmem>>, vector<16xi32>,
      %swap3A_547 = arith.index_cast %scan3A_490 : i32 to index
      %swap3A_548 = arith.constant 304 : index
      %swap3A_549 = tpu.vector_load %arg5[%swap3A_547, %swap3A_548] {strides = array<i32>} : memref<32x1000xi32, #tpu.memory_space<vmem>>, vector<16xi32>,
      tpu.vector_store %arg5[%swap3A_547, %swap3A_548], %broadcast_in_dim3A_3 {strides = array<i32>} : memref<32x1000xi32, #tpu.memory_space<vmem>>, vector<16xi32>,
      %swap3A_550 = arith.index_cast %scan3A_490 : i32 to index
      %swap3A_551 = arith.constant 320 : index
      %swap3A_552 = tpu.vector_load %arg5[%swap3A_550, %swap3A_551] {strides = array<i32>} : memref<32x1000xi32, #tpu.memory_space<vmem>>, vector<16xi32>,
      tpu.vector_store %arg5[%swap3A_550, %swap3A_551], %broadcast_in_dim3A_3 {strides = array<i32>} : memref<32x1000xi32, #tpu.memory_space<vmem>>, vector<16xi32>,
      %swap3A_553 = arith.index_cast %scan3A_490 : i32 to index
      %swap3A_554 = arith.constant 336 : index
      %swap3A_555 = tpu.vector_load %arg5[%swap3A_553, %swap3A_554] {strides = array<i32>} : memref<32x1000xi32, #tpu.memory_space<vmem>>, vector<16xi32>,
      tpu.vector_store %arg5[%swap3A_553, %swap3A_554], %broadcast_in_dim3A_3 {strides = array<i32>} : memref<32x1000xi32, #tpu.memory_space<vmem>>, vector<16xi32>,
      %swap3A_556 = arith.index_cast %scan3A_490 : i32 to index
      %swap3A_557 = arith.constant 352 : index
      %swap3A_558 = tpu.vector_load %arg5[%swap3A_556, %swap3A_557] {strides = array<i32>} : memref<32x1000xi32, #tpu.memory_space<vmem>>, vector<16xi32>,
      tpu.vector_store %arg5[%swap3A_556, %swap3A_557], %broadcast_in_dim3A_3 {strides = array<i32>} : memref<32x1000xi32, #tpu.memory_space<vmem>>, vector<16xi32>,
      %swap3A_559 = arith.index_cast %scan3A_490 : i32 to index
      %swap3A_560 = arith.constant 368 : index
      %swap3A_561 = tpu.vector_load %arg5[%swap3A_559, %swap3A_560] {strides = array<i32>} : memref<32x1000xi32, #tpu.memory_space<vmem>>, vector<16xi32>,
      tpu.vector_store %arg5[%swap3A_559, %swap3A_560], %broadcast_in_dim3A_3 {strides = array<i32>} : memref<32x1000xi32, #tpu.memory_space<vmem>>, vector<16xi32>,
      %swap3A_562 = arith.index_cast %scan3A_490 : i32 to index
      %swap3A_563 = arith.constant 384 : index
      %swap3A_564 = tpu.vector_load %arg5[%swap3A_562, %swap3A_563] {strides = array<i32>} : memref<32x1000xi32, #tpu.memory_space<vmem>>, vector<16xi32>,
      tpu.vector_store %arg5[%swap3A_562, %swap3A_563], %broadcast_in_dim3A_3 {strides = array<i32>} : memref<32x1000xi32, #tpu.memory_space<vmem>>, vector<16xi32>,
      %swap3A_565 = arith.index_cast %scan3A_490 : i32 to index
      %swap3A_566 = arith.constant 400 : index
      %swap3A_567 = tpu.vector_load %arg5[%swap3A_565, %swap3A_566] {strides = array<i32>} : memref<32x1000xi32, #tpu.memory_space<vmem>>, vector<16xi32>,
      tpu.vector_store %arg5[%swap3A_565, %swap3A_566], %broadcast_in_dim3A_3 {strides = array<i32>} : memref<32x1000xi32, #tpu.memory_space<vmem>>, vector<16xi32>,
      %swap3A_568 = arith.index_cast %scan3A_490 : i32 to index
      %swap3A_569 = arith.constant 416 : index
      %swap3A_570 = tpu.vector_load %arg5[%swap3A_568, %swap3A_569] {strides = array<i32>} : memref<32x1000xi32, #tpu.memory_space<vmem>>, vector<16xi32>,
      tpu.vector_store %arg5[%swap3A_568, %swap3A_569], %broadcast_in_dim3A_3 {strides = array<i32>} : memref<32x1000xi32, #tpu.memory_space<vmem>>, vector<16xi32>,
      %swap3A_571 = arith.index_cast %scan3A_490 : i32 to index
      %swap3A_572 = arith.constant 432 : index
      %swap3A_573 = tpu.vector_load %arg5[%swap3A_571, %swap3A_572] {strides = array<i32>} : memref<32x1000xi32, #tpu.memory_space<vmem>>, vector<16xi32>,
      tpu.vector_store %arg5[%swap3A_571, %swap3A_572], %broadcast_in_dim3A_3 {strides = array<i32>} : memref<32x1000xi32, #tpu.memory_space<vmem>>, vector<16xi32>,
      %swap3A_574 = arith.index_cast %scan3A_490 : i32 to index
      %swap3A_575 = arith.constant 448 : index
      %swap3A_576 = tpu.vector_load %arg5[%swap3A_574, %swap3A_575] {strides = array<i32>} : memref<32x1000xi32, #tpu.memory_space<vmem>>, vector<16xi32>,
      tpu.vector_store %arg5[%swap3A_574, %swap3A_575], %broadcast_in_dim3A_3 {strides = array<i32>} : memref<32x1000xi32, #tpu.memory_space<vmem>>, vector<16xi32>,
      %swap3A_577 = arith.index_cast %scan3A_490 : i32 to index
      %swap3A_578 = arith.constant 464 : index
      %swap3A_579 = tpu.vector_load %arg5[%swap3A_577, %swap3A_578] {strides = array<i32>} : memref<32x1000xi32, #tpu.memory_space<vmem>>, vector<16xi32>,
      tpu.vector_store %arg5[%swap3A_577, %swap3A_578], %broadcast_in_dim3A_3 {strides = array<i32>} : memref<32x1000xi32, #tpu.memory_space<vmem>>, vector<16xi32>,
      %swap3A_580 = arith.index_cast %scan3A_490 : i32 to index
      %swap3A_581 = arith.constant 480 : index
      %swap3A_582 = tpu.vector_load %arg5[%swap3A_580, %swap3A_581] {strides = array<i32>} : memref<32x1000xi32, #tpu.memory_space<vmem>>, vector<16xi32>,
      tpu.vector_store %arg5[%swap3A_580, %swap3A_581], %broadcast_in_dim3A_3 {strides = array<i32>} : memref<32x1000xi32, #tpu.memory_space<vmem>>, vector<16xi32>,
      %swap3A_583 = arith.index_cast %scan3A_490 : i32 to index
      %swap3A_584 = arith.constant 496 : index
      %swap3A_585 = tpu.vector_load %arg5[%swap3A_583, %swap3A_584] {strides = array<i32>} : memref<32x1000xi32, #tpu.memory_space<vmem>>, vector<16xi32>,
      tpu.vector_store %arg5[%swap3A_583, %swap3A_584], %broadcast_in_dim3A_3 {strides = array<i32>} : memref<32x1000xi32, #tpu.memory_space<vmem>>, vector<16xi32>,
      %swap3A_586 = arith.index_cast %scan3A_490 : i32 to index
      %swap3A_587 = arith.constant 512 : index
      %swap3A_588 = tpu.vector_load %arg5[%swap3A_586, %swap3A_587] {strides = array<i32>} : memref<32x1000xi32, #tpu.memory_space<vmem>>, vector<16xi32>,
      tpu.vector_store %arg5[%swap3A_586, %swap3A_587], %broadcast_in_dim3A_3 {strides = array<i32>} : memref<32x1000xi32, #tpu.memory_space<vmem>>, vector<16xi32>,
      %swap3A_589 = arith.index_cast %scan3A_490 : i32 to index
      %swap3A_590 = arith.constant 528 : index
      %swap3A_591 = tpu.vector_load %arg5[%swap3A_589, %swap3A_590] {strides = array<i32>} : memref<32x1000xi32, #tpu.memory_space<vmem>>, vector<16xi32>,
      tpu.vector_store %arg5[%swap3A_589, %swap3A_590], %broadcast_in_dim3A_3 {strides = array<i32>} : memref<32x1000xi32, #tpu.memory_space<vmem>>, vector<16xi32>,
      %swap3A_592 = arith.index_cast %scan3A_490 : i32 to index
      %swap3A_593 = arith.constant 544 : index
      %swap3A_594 = tpu.vector_load %arg5[%swap3A_592, %swap3A_593] {strides = array<i32>} : memref<32x1000xi32, #tpu.memory_space<vmem>>, vector<16xi32>,
      tpu.vector_store %arg5[%swap3A_592, %swap3A_593], %broadcast_in_dim3A_3 {strides = array<i32>} : memref<32x1000xi32, #tpu.memory_space<vmem>>, vector<16xi32>,
      %swap3A_595 = arith.index_cast %scan3A_490 : i32 to index
      %swap3A_596 = arith.constant 560 : index
      %swap3A_597 = tpu.vector_load %arg5[%swap3A_595, %swap3A_596] {strides = array<i32>} : memref<32x1000xi32, #tpu.memory_space<vmem>>, vector<16xi32>,
      tpu.vector_store %arg5[%swap3A_595, %swap3A_596], %broadcast_in_dim3A_3 {strides = array<i32>} : memref<32x1000xi32, #tpu.memory_space<vmem>>, vector<16xi32>,
      %swap3A_598 = arith.index_cast %scan3A_490 : i32 to index
      %swap3A_599 = arith.constant 576 : index
      %swap3A_600 = tpu.vector_load %arg5[%swap3A_598, %swap3A_599] {strides = array<i32>} : memref<32x1000xi32, #tpu.memory_space<vmem>>, vector<16xi32>,
      tpu.vector_store %arg5[%swap3A_598, %swap3A_599], %broadcast_in_dim3A_3 {strides = array<i32>} : memref<32x1000xi32, #tpu.memory_space<vmem>>, vector<16xi32>,
      %swap3A_601 = arith.index_cast %scan3A_490 : i32 to index
      %swap3A_602 = arith.constant 592 : index
      %swap3A_603 = tpu.vector_load %arg5[%swap3A_601, %swap3A_602] {strides = array<i32>} : memref<32x1000xi32, #tpu.memory_space<vmem>>, vector<16xi32>,
      tpu.vector_store %arg5[%swap3A_601, %swap3A_602], %broadcast_in_dim3A_3 {strides = array<i32>} : memref<32x1000xi32, #tpu.memory_space<vmem>>, vector<16xi32>,
      %swap3A_604 = arith.index_cast %scan3A_490 : i32 to index
      %swap3A_605 = arith.constant 608 : index
      %swap3A_606 = tpu.vector_load %arg5[%swap3A_604, %swap3A_605] {strides = array<i32>} : memref<32x1000xi32, #tpu.memory_space<vmem>>, vector<16xi32>,
      tpu.vector_store %arg5[%swap3A_604, %swap3A_605], %broadcast_in_dim3A_3 {strides = array<i32>} : memref<32x1000xi32, #tpu.memory_space<vmem>>, vector<16xi32>,
      %swap3A_607 = arith.index_cast %scan3A_490 : i32 to index
      %swap3A_608 = arith.constant 624 : index
      %swap3A_609 = tpu.vector_load %arg5[%swap3A_607, %swap3A_608] {strides = array<i32>} : memref<32x1000xi32, #tpu.memory_space<vmem>>, vector<16xi32>,
      tpu.vector_store %arg5[%swap3A_607, %swap3A_608], %broadcast_in_dim3A_3 {strides = array<i32>} : memref<32x1000xi32, #tpu.memory_space<vmem>>, vector<16xi32>,
      %swap3A_610 = arith.index_cast %scan3A_490 : i32 to index
      %swap3A_611 = arith.constant 640 : index
      %swap3A_612 = tpu.vector_load %arg5[%swap3A_610, %swap3A_611] {strides = array<i32>} : memref<32x1000xi32, #tpu.memory_space<vmem>>, vector<16xi32>,
      tpu.vector_store %arg5[%swap3A_610, %swap3A_611], %broadcast_in_dim3A_3 {strides = array<i32>} : memref<32x1000xi32, #tpu.memory_space<vmem>>, vector<16xi32>,
      %swap3A_613 = arith.index_cast %scan3A_490 : i32 to index
      %swap3A_614 = arith.constant 656 : index
      %swap3A_615 = tpu.vector_load %arg5[%swap3A_613, %swap3A_614] {strides = array<i32>} : memref<32x1000xi32, #tpu.memory_space<vmem>>, vector<16xi32>,
      tpu.vector_store %arg5[%swap3A_613, %swap3A_614], %broadcast_in_dim3A_3 {strides = array<i32>} : memref<32x1000xi32, #tpu.memory_space<vmem>>, vector<16xi32>,
      %swap3A_616 = arith.index_cast %scan3A_490 : i32 to index
      %swap3A_617 = arith.constant 672 : index
      %swap3A_618 = tpu.vector_load %arg5[%swap3A_616, %swap3A_617] {strides = array<i32>} : memref<32x1000xi32, #tpu.memory_space<vmem>>, vector<16xi32>,
      tpu.vector_store %arg5[%swap3A_616, %swap3A_617], %broadcast_in_dim3A_3 {strides = array<i32>} : memref<32x1000xi32, #tpu.memory_space<vmem>>, vector<16xi32>,
      %swap3A_619 = arith.index_cast %scan3A_490 : i32 to index
      %swap3A_620 = arith.constant 688 : index
      %swap3A_621 = tpu.vector_load %arg5[%swap3A_619, %swap3A_620] {strides = array<i32>} : memref<32x1000xi32, #tpu.memory_space<vmem>>, vector<16xi32>,
      tpu.vector_store %arg5[%swap3A_619, %swap3A_620], %broadcast_in_dim3A_3 {strides = array<i32>} : memref<32x1000xi32, #tpu.memory_space<vmem>>, vector<16xi32>,
      %swap3A_622 = arith.index_cast %scan3A_490 : i32 to index
      %swap3A_623 = arith.constant 704 : index
      %swap3A_624 = tpu.vector_load %arg5[%swap3A_622, %swap3A_623] {strides = array<i32>} : memref<32x1000xi32, #tpu.memory_space<vmem>>, vector<16xi32>,
      tpu.vector_store %arg5[%swap3A_622, %swap3A_623], %broadcast_in_dim3A_3 {strides = array<i32>} : memref<32x1000xi32, #tpu.memory_space<vmem>>, vector<16xi32>,
      %swap3A_625 = arith.index_cast %scan3A_490 : i32 to index
      %swap3A_626 = arith.constant 720 : index
      %swap3A_627 = tpu.vector_load %arg5[%swap3A_625, %swap3A_626] {strides = array<i32>} : memref<32x1000xi32, #tpu.memory_space<vmem>>, vector<16xi32>,
      tpu.vector_store %arg5[%swap3A_625, %swap3A_626], %broadcast_in_dim3A_3 {strides = array<i32>} : memref<32x1000xi32, #tpu.memory_space<vmem>>, vector<16xi32>,
      %swap3A_628 = arith.index_cast %scan3A_490 : i32 to index
      %swap3A_629 = arith.constant 736 : index
      %swap3A_630 = tpu.vector_load %arg5[%swap3A_628, %swap3A_629] {strides = array<i32>} : memref<32x1000xi32, #tpu.memory_space<vmem>>, vector<16xi32>,
      tpu.vector_store %arg5[%swap3A_628, %swap3A_629], %broadcast_in_dim3A_3 {strides = array<i32>} : memref<32x1000xi32, #tpu.memory_space<vmem>>, vector<16xi32>,
      %swap3A_631 = arith.index_cast %scan3A_490 : i32 to index
      %swap3A_632 = arith.constant 752 : index
      %swap3A_633 = tpu.vector_load %arg5[%swap3A_631, %swap3A_632] {strides = array<i32>} : memref<32x1000xi32, #tpu.memory_space<vmem>>, vector<16xi32>,
      tpu.vector_store %arg5[%swap3A_631, %swap3A_632], %broadcast_in_dim3A_3 {strides = array<i32>} : memref<32x1000xi32, #tpu.memory_space<vmem>>, vector<16xi32>,
      %swap3A_634 = arith.index_cast %scan3A_490 : i32 to index
      %swap3A_635 = arith.constant 768 : index
      %swap3A_636 = tpu.vector_load %arg5[%swap3A_634, %swap3A_635] {strides = array<i32>} : memref<32x1000xi32, #tpu.memory_space<vmem>>, vector<16xi32>,
      tpu.vector_store %arg5[%swap3A_634, %swap3A_635], %broadcast_in_dim3A_3 {strides = array<i32>} : memref<32x1000xi32, #tpu.memory_space<vmem>>, vector<16xi32>,
      %swap3A_637 = arith.index_cast %scan3A_490 : i32 to index
      %swap3A_638 = arith.constant 784 : index
      %swap3A_639 = tpu.vector_load %arg5[%swap3A_637, %swap3A_638] {strides = array<i32>} : memref<32x1000xi32, #tpu.memory_space<vmem>>, vector<16xi32>,
      tpu.vector_store %arg5[%swap3A_637, %swap3A_638], %broadcast_in_dim3A_3 {strides = array<i32>} : memref<32x1000xi32, #tpu.memory_space<vmem>>, vector<16xi32>,
      %swap3A_640 = arith.index_cast %scan3A_490 : i32 to index
      %swap3A_641 = arith.constant 800 : index
      %swap3A_642 = tpu.vector_load %arg5[%swap3A_640, %swap3A_641] {strides = array<i32>} : memref<32x1000xi32, #tpu.memory_space<vmem>>, vector<16xi32>,
      tpu.vector_store %arg5[%swap3A_640, %swap3A_641], %broadcast_in_dim3A_3 {strides = array<i32>} : memref<32x1000xi32, #tpu.memory_space<vmem>>, vector<16xi32>,
      %swap3A_643 = arith.index_cast %scan3A_490 : i32 to index
      %swap3A_644 = arith.constant 816 : index
      %swap3A_645 = tpu.vector_load %arg5[%swap3A_643, %swap3A_644] {strides = array<i32>} : memref<32x1000xi32, #tpu.memory_space<vmem>>, vector<16xi32>,
      tpu.vector_store %arg5[%swap3A_643, %swap3A_644], %broadcast_in_dim3A_3 {strides = array<i32>} : memref<32x1000xi32, #tpu.memory_space<vmem>>, vector<16xi32>,
      %swap3A_646 = arith.index_cast %scan3A_490 : i32 to index
      %swap3A_647 = arith.constant 832 : index
      %swap3A_648 = tpu.vector_load %arg5[%swap3A_646, %swap3A_647] {strides = array<i32>} : memref<32x1000xi32, #tpu.memory_space<vmem>>, vector<16xi32>,
      tpu.vector_store %arg5[%swap3A_646, %swap3A_647], %broadcast_in_dim3A_3 {strides = array<i32>} : memref<32x1000xi32, #tpu.memory_space<vmem>>, vector<16xi32>,
      %swap3A_649 = arith.index_cast %scan3A_490 : i32 to index
      %swap3A_650 = arith.constant 848 : index
      %swap3A_651 = tpu.vector_load %arg5[%swap3A_649, %swap3A_650] {strides = array<i32>} : memref<32x1000xi32, #tpu.memory_space<vmem>>, vector<16xi32>,
      tpu.vector_store %arg5[%swap3A_649, %swap3A_650], %broadcast_in_dim3A_3 {strides = array<i32>} : memref<32x1000xi32, #tpu.memory_space<vmem>>, vector<16xi32>,
      %swap3A_652 = arith.index_cast %scan3A_490 : i32 to index
      %swap3A_653 = arith.constant 864 : index
      %swap3A_654 = tpu.vector_load %arg5[%swap3A_652, %swap3A_653] {strides = array<i32>} : memref<32x1000xi32, #tpu.memory_space<vmem>>, vector<16xi32>,
      tpu.vector_store %arg5[%swap3A_652, %swap3A_653], %broadcast_in_dim3A_3 {strides = array<i32>} : memref<32x1000xi32, #tpu.memory_space<vmem>>, vector<16xi32>,
      %swap3A_655 = arith.index_cast %scan3A_490 : i32 to index
      %swap3A_656 = arith.constant 880 : index
      %swap3A_657 = tpu.vector_load %arg5[%swap3A_655, %swap3A_656] {strides = array<i32>} : memref<32x1000xi32, #tpu.memory_space<vmem>>, vector<16xi32>,
      tpu.vector_store %arg5[%swap3A_655, %swap3A_656], %broadcast_in_dim3A_3 {strides = array<i32>} : memref<32x1000xi32, #tpu.memory_space<vmem>>, vector<16xi32>,
      %swap3A_658 = arith.index_cast %scan3A_490 : i32 to index
      %swap3A_659 = arith.constant 896 : index
      %swap3A_660 = tpu.vector_load %arg5[%swap3A_658, %swap3A_659] {strides = array<i32>} : memref<32x1000xi32, #tpu.memory_space<vmem>>, vector<16xi32>,
      tpu.vector_store %arg5[%swap3A_658, %swap3A_659], %broadcast_in_dim3A_3 {strides = array<i32>} : memref<32x1000xi32, #tpu.memory_space<vmem>>, vector<16xi32>,
      %swap3A_661 = arith.index_cast %scan3A_490 : i32 to index
      %swap3A_662 = arith.constant 912 : index
      %swap3A_663 = tpu.vector_load %arg5[%swap3A_661, %swap3A_662] {strides = array<i32>} : memref<32x1000xi32, #tpu.memory_space<vmem>>, vector<16xi32>,
      tpu.vector_store %arg5[%swap3A_661, %swap3A_662], %broadcast_in_dim3A_3 {strides = array<i32>} : memref<32x1000xi32, #tpu.memory_space<vmem>>, vector<16xi32>,
      %swap3A_664 = arith.index_cast %scan3A_490 : i32 to index
      %swap3A_665 = arith.constant 928 : index
      %swap3A_666 = tpu.vector_load %arg5[%swap3A_664, %swap3A_665] {strides = array<i32>} : memref<32x1000xi32, #tpu.memory_space<vmem>>, vector<16xi32>,
      tpu.vector_store %arg5[%swap3A_664, %swap3A_665], %broadcast_in_dim3A_3 {strides = array<i32>} : memref<32x1000xi32, #tpu.memory_space<vmem>>, vector<16xi32>,
      %swap3A_667 = arith.index_cast %scan3A_490 : i32 to index
      %swap3A_668 = arith.constant 944 : index
      %swap3A_669 = tpu.vector_load %arg5[%swap3A_667, %swap3A_668] {strides = array<i32>} : memref<32x1000xi32, #tpu.memory_space<vmem>>, vector<16xi32>,
      tpu.vector_store %arg5[%swap3A_667, %swap3A_668], %broadcast_in_dim3A_3 {strides = array<i32>} : memref<32x1000xi32, #tpu.memory_space<vmem>>, vector<16xi32>,
      %swap3A_670 = arith.index_cast %scan3A_490 : i32 to index
      %swap3A_671 = arith.constant 960 : index
      %swap3A_672 = tpu.vector_load %arg5[%swap3A_670, %swap3A_671] {strides = array<i32>} : memref<32x1000xi32, #tpu.memory_space<vmem>>, vector<16xi32>,
      tpu.vector_store %arg5[%swap3A_670, %swap3A_671], %broadcast_in_dim3A_3 {strides = array<i32>} : memref<32x1000xi32, #tpu.memory_space<vmem>>, vector<16xi32>,
      %swap3A_673 = arith.index_cast %scan3A_490 : i32 to index
      %swap3A_674 = arith.constant 976 : index
      %swap3A_675 = tpu.vector_load %arg5[%swap3A_673, %swap3A_674] {strides = array<i32>} : memref<32x1000xi32, #tpu.memory_space<vmem>>, vector<16xi32>,
      tpu.vector_store %arg5[%swap3A_673, %swap3A_674], %broadcast_in_dim3A_3 {strides = array<i32>} : memref<32x1000xi32, #tpu.memory_space<vmem>>, vector<16xi32>,
      %swap3A_676 = arith.index_cast %scan3A_490 : i32 to index
      %swap3A_677 = arith.constant 984 : index
      %swap3A_678 = tpu.vector_load %arg5[%swap3A_676, %swap3A_677] {strides = array<i32>} : memref<32x1000xi32, #tpu.memory_space<vmem>>, vector<16xi32>,
      tpu.vector_store %arg5[%swap3A_676, %swap3A_677], %broadcast_in_dim3A_3 {strides = array<i32>} : memref<32x1000xi32, #tpu.memory_space<vmem>>, vector<16xi32>,
      %swap3A_679 = arith.index_cast %scan3A_490 : i32 to index
      %swap3A_680 = arith.constant 0 : index
      %swap3A_681 = tpu.vector_load %arg6[%swap3A_679, %swap3A_680] {strides = array<i32>} : memref<32x1000xi32, #tpu.memory_space<vmem>>, vector<16xi32>,
      tpu.vector_store %arg6[%swap3A_679, %swap3A_680], %broadcast_in_dim3A_3 {strides = array<i32>} : memref<32x1000xi32, #tpu.memory_space<vmem>>, vector<16xi32>,
      %swap3A_682 = arith.index_cast %scan3A_490 : i32 to index
      %swap3A_683 = arith.constant 16 : index
      %swap3A_684 = tpu.vector_load %arg6[%swap3A_682, %swap3A_683] {strides = array<i32>} : memref<32x1000xi32, #tpu.memory_space<vmem>>, vector<16xi32>,
      tpu.vector_store %arg6[%swap3A_682, %swap3A_683], %broadcast_in_dim3A_3 {strides = array<i32>} : memref<32x1000xi32, #tpu.memory_space<vmem>>, vector<16xi32>,
      %swap3A_685 = arith.index_cast %scan3A_490 : i32 to index
      %swap3A_686 = arith.constant 32 : index
      %swap3A_687 = tpu.vector_load %arg6[%swap3A_685, %swap3A_686] {strides = array<i32>} : memref<32x1000xi32, #tpu.memory_space<vmem>>, vector<16xi32>,
      tpu.vector_store %arg6[%swap3A_685, %swap3A_686], %broadcast_in_dim3A_3 {strides = array<i32>} : memref<32x1000xi32, #tpu.memory_space<vmem>>, vector<16xi32>,
      %swap3A_688 = arith.index_cast %scan3A_490 : i32 to index
      %swap3A_689 = arith.constant 48 : index
      %swap3A_690 = tpu.vector_load %arg6[%swap3A_688, %swap3A_689] {strides = array<i32>} : memref<32x1000xi32, #tpu.memory_space<vmem>>, vector<16xi32>,
      tpu.vector_store %arg6[%swap3A_688, %swap3A_689], %broadcast_in_dim3A_3 {strides = array<i32>} : memref<32x1000xi32, #tpu.memory_space<vmem>>, vector<16xi32>,
      %swap3A_691 = arith.index_cast %scan3A_490 : i32 to index
      %swap3A_692 = arith.constant 64 : index
      %swap3A_693 = tpu.vector_load %arg6[%swap3A_691, %swap3A_692] {strides = array<i32>} : memref<32x1000xi32, #tpu.memory_space<vmem>>, vector<16xi32>,
      tpu.vector_store %arg6[%swap3A_691, %swap3A_692], %broadcast_in_dim3A_3 {strides = array<i32>} : memref<32x1000xi32, #tpu.memory_space<vmem>>, vector<16xi32>,
      %swap3A_694 = arith.index_cast %scan3A_490 : i32 to index
      %swap3A_695 = arith.constant 80 : index
      %swap3A_696 = tpu.vector_load %arg6[%swap3A_694, %swap3A_695] {strides = array<i32>} : memref<32x1000xi32, #tpu.memory_space<vmem>>, vector<16xi32>,
      tpu.vector_store %arg6[%swap3A_694, %swap3A_695], %broadcast_in_dim3A_3 {strides = array<i32>} : memref<32x1000xi32, #tpu.memory_space<vmem>>, vector<16xi32>,
      %swap3A_697 = arith.index_cast %scan3A_490 : i32 to index
      %swap3A_698 = arith.constant 96 : index
      %swap3A_699 = tpu.vector_load %arg6[%swap3A_697, %swap3A_698] {strides = array<i32>} : memref<32x1000xi32, #tpu.memory_space<vmem>>, vector<16xi32>,
      tpu.vector_store %arg6[%swap3A_697, %swap3A_698], %broadcast_in_dim3A_3 {strides = array<i32>} : memref<32x1000xi32, #tpu.memory_space<vmem>>, vector<16xi32>,
      %swap3A_700 = arith.index_cast %scan3A_490 : i32 to index
      %swap3A_701 = arith.constant 112 : index
      %swap3A_702 = tpu.vector_load %arg6[%swap3A_700, %swap3A_701] {strides = array<i32>} : memref<32x1000xi32, #tpu.memory_space<vmem>>, vector<16xi32>,
      tpu.vector_store %arg6[%swap3A_700, %swap3A_701], %broadcast_in_dim3A_3 {strides = array<i32>} : memref<32x1000xi32, #tpu.memory_space<vmem>>, vector<16xi32>,
      %swap3A_703 = arith.index_cast %scan3A_490 : i32 to index
      %swap3A_704 = arith.constant 128 : index
      %swap3A_705 = tpu.vector_load %arg6[%swap3A_703, %swap3A_704] {strides = array<i32>} : memref<32x1000xi32, #tpu.memory_space<vmem>>, vector<16xi32>,
      tpu.vector_store %arg6[%swap3A_703, %swap3A_704], %broadcast_in_dim3A_3 {strides = array<i32>} : memref<32x1000xi32, #tpu.memory_space<vmem>>, vector<16xi32>,
      %swap3A_706 = arith.index_cast %scan3A_490 : i32 to index
      %swap3A_707 = arith.constant 144 : index
      %swap3A_708 = tpu.vector_load %arg6[%swap3A_706, %swap3A_707] {strides = array<i32>} : memref<32x1000xi32, #tpu.memory_space<vmem>>, vector<16xi32>,
      tpu.vector_store %arg6[%swap3A_706, %swap3A_707], %broadcast_in_dim3A_3 {strides = array<i32>} : memref<32x1000xi32, #tpu.memory_space<vmem>>, vector<16xi32>,
      %swap3A_709 = arith.index_cast %scan3A_490 : i32 to index
      %swap3A_710 = arith.constant 160 : index
      %swap3A_711 = tpu.vector_load %arg6[%swap3A_709, %swap3A_710] {strides = array<i32>} : memref<32x1000xi32, #tpu.memory_space<vmem>>, vector<16xi32>,
      tpu.vector_store %arg6[%swap3A_709, %swap3A_710], %broadcast_in_dim3A_3 {strides = array<i32>} : memref<32x1000xi32, #tpu.memory_space<vmem>>, vector<16xi32>,
      %swap3A_712 = arith.index_cast %scan3A_490 : i32 to index
      %swap3A_713 = arith.constant 176 : index
      %swap3A_714 = tpu.vector_load %arg6[%swap3A_712, %swap3A_713] {strides = array<i32>} : memref<32x1000xi32, #tpu.memory_space<vmem>>, vector<16xi32>,
      tpu.vector_store %arg6[%swap3A_712, %swap3A_713], %broadcast_in_dim3A_3 {strides = array<i32>} : memref<32x1000xi32, #tpu.memory_space<vmem>>, vector<16xi32>,
      %swap3A_715 = arith.index_cast %scan3A_490 : i32 to index
      %swap3A_716 = arith.constant 192 : index
      %swap3A_717 = tpu.vector_load %arg6[%swap3A_715, %swap3A_716] {strides = array<i32>} : memref<32x1000xi32, #tpu.memory_space<vmem>>, vector<16xi32>,
      tpu.vector_store %arg6[%swap3A_715, %swap3A_716], %broadcast_in_dim3A_3 {strides = array<i32>} : memref<32x1000xi32, #tpu.memory_space<vmem>>, vector<16xi32>,
      %swap3A_718 = arith.index_cast %scan3A_490 : i32 to index
      %swap3A_719 = arith.constant 208 : index
      %swap3A_720 = tpu.vector_load %arg6[%swap3A_718, %swap3A_719] {strides = array<i32>} : memref<32x1000xi32, #tpu.memory_space<vmem>>, vector<16xi32>,
      tpu.vector_store %arg6[%swap3A_718, %swap3A_719], %broadcast_in_dim3A_3 {strides = array<i32>} : memref<32x1000xi32, #tpu.memory_space<vmem>>, vector<16xi32>,
      %swap3A_721 = arith.index_cast %scan3A_490 : i32 to index
      %swap3A_722 = arith.constant 224 : index
      %swap3A_723 = tpu.vector_load %arg6[%swap3A_721, %swap3A_722] {strides = array<i32>} : memref<32x1000xi32, #tpu.memory_space<vmem>>, vector<16xi32>,
      tpu.vector_store %arg6[%swap3A_721, %swap3A_722], %broadcast_in_dim3A_3 {strides = array<i32>} : memref<32x1000xi32, #tpu.memory_space<vmem>>, vector<16xi32>,
      %swap3A_724 = arith.index_cast %scan3A_490 : i32 to index
      %swap3A_725 = arith.constant 240 : index
      %swap3A_726 = tpu.vector_load %arg6[%swap3A_724, %swap3A_725] {strides = array<i32>} : memref<32x1000xi32, #tpu.memory_space<vmem>>, vector<16xi32>,
      tpu.vector_store %arg6[%swap3A_724, %swap3A_725], %broadcast_in_dim3A_3 {strides = array<i32>} : memref<32x1000xi32, #tpu.memory_space<vmem>>, vector<16xi32>,
      %swap3A_727 = arith.index_cast %scan3A_490 : i32 to index
      %swap3A_728 = arith.constant 256 : index
      %swap3A_729 = tpu.vector_load %arg6[%swap3A_727, %swap3A_728] {strides = array<i32>} : memref<32x1000xi32, #tpu.memory_space<vmem>>, vector<16xi32>,
      tpu.vector_store %arg6[%swap3A_727, %swap3A_728], %broadcast_in_dim3A_3 {strides = array<i32>} : memref<32x1000xi32, #tpu.memory_space<vmem>>, vector<16xi32>,
      %swap3A_730 = arith.index_cast %scan3A_490 : i32 to index
      %swap3A_731 = arith.constant 272 : index
      %swap3A_732 = tpu.vector_load %arg6[%swap3A_730, %swap3A_731] {strides = array<i32>} : memref<32x1000xi32, #tpu.memory_space<vmem>>, vector<16xi32>,
      tpu.vector_store %arg6[%swap3A_730, %swap3A_731], %broadcast_in_dim3A_3 {strides = array<i32>} : memref<32x1000xi32, #tpu.memory_space<vmem>>, vector<16xi32>,
      %swap3A_733 = arith.index_cast %scan3A_490 : i32 to index
      %swap3A_734 = arith.constant 288 : index
      %swap3A_735 = tpu.vector_load %arg6[%swap3A_733, %swap3A_734] {strides = array<i32>} : memref<32x1000xi32, #tpu.memory_space<vmem>>, vector<16xi32>,
      tpu.vector_store %arg6[%swap3A_733, %swap3A_734], %broadcast_in_dim3A_3 {strides = array<i32>} : memref<32x1000xi32, #tpu.memory_space<vmem>>, vector<16xi32>,
      %swap3A_736 = arith.index_cast %scan3A_490 : i32 to index
      %swap3A_737 = arith.constant 304 : index
      %swap3A_738 = tpu.vector_load %arg6[%swap3A_736, %swap3A_737] {strides = array<i32>} : memref<32x1000xi32, #tpu.memory_space<vmem>>, vector<16xi32>,
      tpu.vector_store %arg6[%swap3A_736, %swap3A_737], %broadcast_in_dim3A_3 {strides = array<i32>} : memref<32x1000xi32, #tpu.memory_space<vmem>>, vector<16xi32>,
      %swap3A_739 = arith.index_cast %scan3A_490 : i32 to index
      %swap3A_740 = arith.constant 320 : index
      %swap3A_741 = tpu.vector_load %arg6[%swap3A_739, %swap3A_740] {strides = array<i32>} : memref<32x1000xi32, #tpu.memory_space<vmem>>, vector<16xi32>,
      tpu.vector_store %arg6[%swap3A_739, %swap3A_740], %broadcast_in_dim3A_3 {strides = array<i32>} : memref<32x1000xi32, #tpu.memory_space<vmem>>, vector<16xi32>,
      %swap3A_742 = arith.index_cast %scan3A_490 : i32 to index
      %swap3A_743 = arith.constant 336 : index
      %swap3A_744 = tpu.vector_load %arg6[%swap3A_742, %swap3A_743] {strides = array<i32>} : memref<32x1000xi32, #tpu.memory_space<vmem>>, vector<16xi32>,
      tpu.vector_store %arg6[%swap3A_742, %swap3A_743], %broadcast_in_dim3A_3 {strides = array<i32>} : memref<32x1000xi32, #tpu.memory_space<vmem>>, vector<16xi32>,
      %swap3A_745 = arith.index_cast %scan3A_490 : i32 to index
      %swap3A_746 = arith.constant 352 : index
      %swap3A_747 = tpu.vector_load %arg6[%swap3A_745, %swap3A_746] {strides = array<i32>} : memref<32x1000xi32, #tpu.memory_space<vmem>>, vector<16xi32>,
      tpu.vector_store %arg6[%swap3A_745, %swap3A_746], %broadcast_in_dim3A_3 {strides = array<i32>} : memref<32x1000xi32, #tpu.memory_space<vmem>>, vector<16xi32>,
      %swap3A_748 = arith.index_cast %scan3A_490 : i32 to index
      %swap3A_749 = arith.constant 368 : index
      %swap3A_750 = tpu.vector_load %arg6[%swap3A_748, %swap3A_749] {strides = array<i32>} : memref<32x1000xi32, #tpu.memory_space<vmem>>, vector<16xi32>,
      tpu.vector_store %arg6[%swap3A_748, %swap3A_749], %broadcast_in_dim3A_3 {strides = array<i32>} : memref<32x1000xi32, #tpu.memory_space<vmem>>, vector<16xi32>,
      %swap3A_751 = arith.index_cast %scan3A_490 : i32 to index
      %swap3A_752 = arith.constant 384 : index
      %swap3A_753 = tpu.vector_load %arg6[%swap3A_751, %swap3A_752] {strides = array<i32>} : memref<32x1000xi32, #tpu.memory_space<vmem>>, vector<16xi32>,
      tpu.vector_store %arg6[%swap3A_751, %swap3A_752], %broadcast_in_dim3A_3 {strides = array<i32>} : memref<32x1000xi32, #tpu.memory_space<vmem>>, vector<16xi32>,
      %swap3A_754 = arith.index_cast %scan3A_490 : i32 to index
      %swap3A_755 = arith.constant 400 : index
      %swap3A_756 = tpu.vector_load %arg6[%swap3A_754, %swap3A_755] {strides = array<i32>} : memref<32x1000xi32, #tpu.memory_space<vmem>>, vector<16xi32>,
      tpu.vector_store %arg6[%swap3A_754, %swap3A_755], %broadcast_in_dim3A_3 {strides = array<i32>} : memref<32x1000xi32, #tpu.memory_space<vmem>>, vector<16xi32>,
      %swap3A_757 = arith.index_cast %scan3A_490 : i32 to index
      %swap3A_758 = arith.constant 416 : index
      %swap3A_759 = tpu.vector_load %arg6[%swap3A_757, %swap3A_758] {strides = array<i32>} : memref<32x1000xi32, #tpu.memory_space<vmem>>, vector<16xi32>,
      tpu.vector_store %arg6[%swap3A_757, %swap3A_758], %broadcast_in_dim3A_3 {strides = array<i32>} : memref<32x1000xi32, #tpu.memory_space<vmem>>, vector<16xi32>,
      %swap3A_760 = arith.index_cast %scan3A_490 : i32 to index
      %swap3A_761 = arith.constant 432 : index
      %swap3A_762 = tpu.vector_load %arg6[%swap3A_760, %swap3A_761] {strides = array<i32>} : memref<32x1000xi32, #tpu.memory_space<vmem>>, vector<16xi32>,
      tpu.vector_store %arg6[%swap3A_760, %swap3A_761], %broadcast_in_dim3A_3 {strides = array<i32>} : memref<32x1000xi32, #tpu.memory_space<vmem>>, vector<16xi32>,
      %swap3A_763 = arith.index_cast %scan3A_490 : i32 to index
      %swap3A_764 = arith.constant 448 : index
      %swap3A_765 = tpu.vector_load %arg6[%swap3A_763, %swap3A_764] {strides = array<i32>} : memref<32x1000xi32, #tpu.memory_space<vmem>>, vector<16xi32>,
      tpu.vector_store %arg6[%swap3A_763, %swap3A_764], %broadcast_in_dim3A_3 {strides = array<i32>} : memref<32x1000xi32, #tpu.memory_space<vmem>>, vector<16xi32>,
      %swap3A_766 = arith.index_cast %scan3A_490 : i32 to index
      %swap3A_767 = arith.constant 464 : index
      %swap3A_768 = tpu.vector_load %arg6[%swap3A_766, %swap3A_767] {strides = array<i32>} : memref<32x1000xi32, #tpu.memory_space<vmem>>, vector<16xi32>,
      tpu.vector_store %arg6[%swap3A_766, %swap3A_767], %broadcast_in_dim3A_3 {strides = array<i32>} : memref<32x1000xi32, #tpu.memory_space<vmem>>, vector<16xi32>,
      %swap3A_769 = arith.index_cast %scan3A_490 : i32 to index
      %swap3A_770 = arith.constant 480 : index
      %swap3A_771 = tpu.vector_load %arg6[%swap3A_769, %swap3A_770] {strides = array<i32>} : memref<32x1000xi32, #tpu.memory_space<vmem>>, vector<16xi32>,
      tpu.vector_store %arg6[%swap3A_769, %swap3A_770], %broadcast_in_dim3A_3 {strides = array<i32>} : memref<32x1000xi32, #tpu.memory_space<vmem>>, vector<16xi32>,
      %swap3A_772 = arith.index_cast %scan3A_490 : i32 to index
      %swap3A_773 = arith.constant 496 : index
      %swap3A_774 = tpu.vector_load %arg6[%swap3A_772, %swap3A_773] {strides = array<i32>} : memref<32x1000xi32, #tpu.memory_space<vmem>>, vector<16xi32>,
      tpu.vector_store %arg6[%swap3A_772, %swap3A_773], %broadcast_in_dim3A_3 {strides = array<i32>} : memref<32x1000xi32, #tpu.memory_space<vmem>>, vector<16xi32>,
      %swap3A_775 = arith.index_cast %scan3A_490 : i32 to index
      %swap3A_776 = arith.constant 512 : index
      %swap3A_777 = tpu.vector_load %arg6[%swap3A_775, %swap3A_776] {strides = array<i32>} : memref<32x1000xi32, #tpu.memory_space<vmem>>, vector<16xi32>,
      tpu.vector_store %arg6[%swap3A_775, %swap3A_776], %broadcast_in_dim3A_3 {strides = array<i32>} : memref<32x1000xi32, #tpu.memory_space<vmem>>, vector<16xi32>,
      %swap3A_778 = arith.index_cast %scan3A_490 : i32 to index
      %swap3A_779 = arith.constant 528 : index
      %swap3A_780 = tpu.vector_load %arg6[%swap3A_778, %swap3A_779] {strides = array<i32>} : memref<32x1000xi32, #tpu.memory_space<vmem>>, vector<16xi32>,
      tpu.vector_store %arg6[%swap3A_778, %swap3A_779], %broadcast_in_dim3A_3 {strides = array<i32>} : memref<32x1000xi32, #tpu.memory_space<vmem>>, vector<16xi32>,
      %swap3A_781 = arith.index_cast %scan3A_490 : i32 to index
      %swap3A_782 = arith.constant 544 : index
      %swap3A_783 = tpu.vector_load %arg6[%swap3A_781, %swap3A_782] {strides = array<i32>} : memref<32x1000xi32, #tpu.memory_space<vmem>>, vector<16xi32>,
      tpu.vector_store %arg6[%swap3A_781, %swap3A_782], %broadcast_in_dim3A_3 {strides = array<i32>} : memref<32x1000xi32, #tpu.memory_space<vmem>>, vector<16xi32>,
      %swap3A_784 = arith.index_cast %scan3A_490 : i32 to index
      %swap3A_785 = arith.constant 560 : index
      %swap3A_786 = tpu.vector_load %arg6[%swap3A_784, %swap3A_785] {strides = array<i32>} : memref<32x1000xi32, #tpu.memory_space<vmem>>, vector<16xi32>,
      tpu.vector_store %arg6[%swap3A_784, %swap3A_785], %broadcast_in_dim3A_3 {strides = array<i32>} : memref<32x1000xi32, #tpu.memory_space<vmem>>, vector<16xi32>,
      %swap3A_787 = arith.index_cast %scan3A_490 : i32 to index
      %swap3A_788 = arith.constant 576 : index
      %swap3A_789 = tpu.vector_load %arg6[%swap3A_787, %swap3A_788] {strides = array<i32>} : memref<32x1000xi32, #tpu.memory_space<vmem>>, vector<16xi32>,
      tpu.vector_store %arg6[%swap3A_787, %swap3A_788], %broadcast_in_dim3A_3 {strides = array<i32>} : memref<32x1000xi32, #tpu.memory_space<vmem>>, vector<16xi32>,
      %swap3A_790 = arith.index_cast %scan3A_490 : i32 to index
      %swap3A_791 = arith.constant 592 : index
      %swap3A_792 = tpu.vector_load %arg6[%swap3A_790, %swap3A_791] {strides = array<i32>} : memref<32x1000xi32, #tpu.memory_space<vmem>>, vector<16xi32>,
      tpu.vector_store %arg6[%swap3A_790, %swap3A_791], %broadcast_in_dim3A_3 {strides = array<i32>} : memref<32x1000xi32, #tpu.memory_space<vmem>>, vector<16xi32>,
      %swap3A_793 = arith.index_cast %scan3A_490 : i32 to index
      %swap3A_794 = arith.constant 608 : index
      %swap3A_795 = tpu.vector_load %arg6[%swap3A_793, %swap3A_794] {strides = array<i32>} : memref<32x1000xi32, #tpu.memory_space<vmem>>, vector<16xi32>,
      tpu.vector_store %arg6[%swap3A_793, %swap3A_794], %broadcast_in_dim3A_3 {strides = array<i32>} : memref<32x1000xi32, #tpu.memory_space<vmem>>, vector<16xi32>,
      %swap3A_796 = arith.index_cast %scan3A_490 : i32 to index
      %swap3A_797 = arith.constant 624 : index
      %swap3A_798 = tpu.vector_load %arg6[%swap3A_796, %swap3A_797] {strides = array<i32>} : memref<32x1000xi32, #tpu.memory_space<vmem>>, vector<16xi32>,
      tpu.vector_store %arg6[%swap3A_796, %swap3A_797], %broadcast_in_dim3A_3 {strides = array<i32>} : memref<32x1000xi32, #tpu.memory_space<vmem>>, vector<16xi32>,
      %swap3A_799 = arith.index_cast %scan3A_490 : i32 to index
      %swap3A_800 = arith.constant 640 : index
      %swap3A_801 = tpu.vector_load %arg6[%swap3A_799, %swap3A_800] {strides = array<i32>} : memref<32x1000xi32, #tpu.memory_space<vmem>>, vector<16xi32>,
      tpu.vector_store %arg6[%swap3A_799, %swap3A_800], %broadcast_in_dim3A_3 {strides = array<i32>} : memref<32x1000xi32, #tpu.memory_space<vmem>>, vector<16xi32>,
      %swap3A_802 = arith.index_cast %scan3A_490 : i32 to index
      %swap3A_803 = arith.constant 656 : index
      %swap3A_804 = tpu.vector_load %arg6[%swap3A_802, %swap3A_803] {strides = array<i32>} : memref<32x1000xi32, #tpu.memory_space<vmem>>, vector<16xi32>,
      tpu.vector_store %arg6[%swap3A_802, %swap3A_803], %broadcast_in_dim3A_3 {strides = array<i32>} : memref<32x1000xi32, #tpu.memory_space<vmem>>, vector<16xi32>,
      %swap3A_805 = arith.index_cast %scan3A_490 : i32 to index
      %swap3A_806 = arith.constant 672 : index
      %swap3A_807 = tpu.vector_load %arg6[%swap3A_805, %swap3A_806] {strides = array<i32>} : memref<32x1000xi32, #tpu.memory_space<vmem>>, vector<16xi32>,
      tpu.vector_store %arg6[%swap3A_805, %swap3A_806], %broadcast_in_dim3A_3 {strides = array<i32>} : memref<32x1000xi32, #tpu.memory_space<vmem>>, vector<16xi32>,
      %swap3A_808 = arith.index_cast %scan3A_490 : i32 to index
      %swap3A_809 = arith.constant 688 : index
      %swap3A_810 = tpu.vector_load %arg6[%swap3A_808, %swap3A_809] {strides = array<i32>} : memref<32x1000xi32, #tpu.memory_space<vmem>>, vector<16xi32>,
      tpu.vector_store %arg6[%swap3A_808, %swap3A_809], %broadcast_in_dim3A_3 {strides = array<i32>} : memref<32x1000xi32, #tpu.memory_space<vmem>>, vector<16xi32>,
      %swap3A_811 = arith.index_cast %scan3A_490 : i32 to index
      %swap3A_812 = arith.constant 704 : index
      %swap3A_813 = tpu.vector_load %arg6[%swap3A_811, %swap3A_812] {strides = array<i32>} : memref<32x1000xi32, #tpu.memory_space<vmem>>, vector<16xi32>,
      tpu.vector_store %arg6[%swap3A_811, %swap3A_812], %broadcast_in_dim3A_3 {strides = array<i32>} : memref<32x1000xi32, #tpu.memory_space<vmem>>, vector<16xi32>,
      %swap3A_814 = arith.index_cast %scan3A_490 : i32 to index
      %swap3A_815 = arith.constant 720 : index
      %swap3A_816 = tpu.vector_load %arg6[%swap3A_814, %swap3A_815] {strides = array<i32>} : memref<32x1000xi32, #tpu.memory_space<vmem>>, vector<16xi32>,
      tpu.vector_store %arg6[%swap3A_814, %swap3A_815], %broadcast_in_dim3A_3 {strides = array<i32>} : memref<32x1000xi32, #tpu.memory_space<vmem>>, vector<16xi32>,
      %swap3A_817 = arith.index_cast %scan3A_490 : i32 to index
      %swap3A_818 = arith.constant 736 : index
      %swap3A_819 = tpu.vector_load %arg6[%swap3A_817, %swap3A_818] {strides = array<i32>} : memref<32x1000xi32, #tpu.memory_space<vmem>>, vector<16xi32>,
      tpu.vector_store %arg6[%swap3A_817, %swap3A_818], %broadcast_in_dim3A_3 {strides = array<i32>} : memref<32x1000xi32, #tpu.memory_space<vmem>>, vector<16xi32>,
      %swap3A_820 = arith.index_cast %scan3A_490 : i32 to index
      %swap3A_821 = arith.constant 752 : index
      %swap3A_822 = tpu.vector_load %arg6[%swap3A_820, %swap3A_821] {strides = array<i32>} : memref<32x1000xi32, #tpu.memory_space<vmem>>, vector<16xi32>,
      tpu.vector_store %arg6[%swap3A_820, %swap3A_821], %broadcast_in_dim3A_3 {strides = array<i32>} : memref<32x1000xi32, #tpu.memory_space<vmem>>, vector<16xi32>,
      %swap3A_823 = arith.index_cast %scan3A_490 : i32 to index
      %swap3A_824 = arith.constant 768 : index
      %swap3A_825 = tpu.vector_load %arg6[%swap3A_823, %swap3A_824] {strides = array<i32>} : memref<32x1000xi32, #tpu.memory_space<vmem>>, vector<16xi32>,
      tpu.vector_store %arg6[%swap3A_823, %swap3A_824], %broadcast_in_dim3A_3 {strides = array<i32>} : memref<32x1000xi32, #tpu.memory_space<vmem>>, vector<16xi32>,
      %swap3A_826 = arith.index_cast %scan3A_490 : i32 to index
      %swap3A_827 = arith.constant 784 : index
      %swap3A_828 = tpu.vector_load %arg6[%swap3A_826, %swap3A_827] {strides = array<i32>} : memref<32x1000xi32, #tpu.memory_space<vmem>>, vector<16xi32>,
      tpu.vector_store %arg6[%swap3A_826, %swap3A_827], %broadcast_in_dim3A_3 {strides = array<i32>} : memref<32x1000xi32, #tpu.memory_space<vmem>>, vector<16xi32>,
      %swap3A_829 = arith.index_cast %scan3A_490 : i32 to index
      %swap3A_830 = arith.constant 800 : index
      %swap3A_831 = tpu.vector_load %arg6[%swap3A_829, %swap3A_830] {strides = array<i32>} : memref<32x1000xi32, #tpu.memory_space<vmem>>, vector<16xi32>,
      tpu.vector_store %arg6[%swap3A_829, %swap3A_830], %broadcast_in_dim3A_3 {strides = array<i32>} : memref<32x1000xi32, #tpu.memory_space<vmem>>, vector<16xi32>,
      %swap3A_832 = arith.index_cast %scan3A_490 : i32 to index
      %swap3A_833 = arith.constant 816 : index
      %swap3A_834 = tpu.vector_load %arg6[%swap3A_832, %swap3A_833] {strides = array<i32>} : memref<32x1000xi32, #tpu.memory_space<vmem>>, vector<16xi32>,
      tpu.vector_store %arg6[%swap3A_832, %swap3A_833], %broadcast_in_dim3A_3 {strides = array<i32>} : memref<32x1000xi32, #tpu.memory_space<vmem>>, vector<16xi32>,
      %swap3A_835 = arith.index_cast %scan3A_490 : i32 to index
      %swap3A_836 = arith.constant 832 : index
      %swap3A_837 = tpu.vector_load %arg6[%swap3A_835, %swap3A_836] {strides = array<i32>} : memref<32x1000xi32, #tpu.memory_space<vmem>>, vector<16xi32>,
      tpu.vector_store %arg6[%swap3A_835, %swap3A_836], %broadcast_in_dim3A_3 {strides = array<i32>} : memref<32x1000xi32, #tpu.memory_space<vmem>>, vector<16xi32>,
      %swap3A_838 = arith.index_cast %scan3A_490 : i32 to index
      %swap3A_839 = arith.constant 848 : index
      %swap3A_840 = tpu.vector_load %arg6[%swap3A_838, %swap3A_839] {strides = array<i32>} : memref<32x1000xi32, #tpu.memory_space<vmem>>, vector<16xi32>,
      tpu.vector_store %arg6[%swap3A_838, %swap3A_839], %broadcast_in_dim3A_3 {strides = array<i32>} : memref<32x1000xi32, #tpu.memory_space<vmem>>, vector<16xi32>,
      %swap3A_841 = arith.index_cast %scan3A_490 : i32 to index
      %swap3A_842 = arith.constant 864 : index
      %swap3A_843 = tpu.vector_load %arg6[%swap3A_841, %swap3A_842] {strides = array<i32>} : memref<32x1000xi32, #tpu.memory_space<vmem>>, vector<16xi32>,
      tpu.vector_store %arg6[%swap3A_841, %swap3A_842], %broadcast_in_dim3A_3 {strides = array<i32>} : memref<32x1000xi32, #tpu.memory_space<vmem>>, vector<16xi32>,
      %swap3A_844 = arith.index_cast %scan3A_490 : i32 to index
      %swap3A_845 = arith.constant 880 : index
      %swap3A_846 = tpu.vector_load %arg6[%swap3A_844, %swap3A_845] {strides = array<i32>} : memref<32x1000xi32, #tpu.memory_space<vmem>>, vector<16xi32>,
      tpu.vector_store %arg6[%swap3A_844, %swap3A_845], %broadcast_in_dim3A_3 {strides = array<i32>} : memref<32x1000xi32, #tpu.memory_space<vmem>>, vector<16xi32>,
      %swap3A_847 = arith.index_cast %scan3A_490 : i32 to index
      %swap3A_848 = arith.constant 896 : index
      %swap3A_849 = tpu.vector_load %arg6[%swap3A_847, %swap3A_848] {strides = array<i32>} : memref<32x1000xi32, #tpu.memory_space<vmem>>, vector<16xi32>,
      tpu.vector_store %arg6[%swap3A_847, %swap3A_848], %broadcast_in_dim3A_3 {strides = array<i32>} : memref<32x1000xi32, #tpu.memory_space<vmem>>, vector<16xi32>,
      %swap3A_850 = arith.index_cast %scan3A_490 : i32 to index
      %swap3A_851 = arith.constant 912 : index
      %swap3A_852 = tpu.vector_load %arg6[%swap3A_850, %swap3A_851] {strides = array<i32>} : memref<32x1000xi32, #tpu.memory_space<vmem>>, vector<16xi32>,
      tpu.vector_store %arg6[%swap3A_850, %swap3A_851], %broadcast_in_dim3A_3 {strides = array<i32>} : memref<32x1000xi32, #tpu.memory_space<vmem>>, vector<16xi32>,
      %swap3A_853 = arith.index_cast %scan3A_490 : i32 to index
      %swap3A_854 = arith.constant 928 : index
      %swap3A_855 = tpu.vector_load %arg6[%swap3A_853, %swap3A_854] {strides = array<i32>} : memref<32x1000xi32, #tpu.memory_space<vmem>>, vector<16xi32>,
      tpu.vector_store %arg6[%swap3A_853, %swap3A_854], %broadcast_in_dim3A_3 {strides = array<i32>} : memref<32x1000xi32, #tpu.memory_space<vmem>>, vector<16xi32>,
      %swap3A_856 = arith.index_cast %scan3A_490 : i32 to index
      %swap3A_857 = arith.constant 944 : index
      %swap3A_858 = tpu.vector_load %arg6[%swap3A_856, %swap3A_857] {strides = array<i32>} : memref<32x1000xi32, #tpu.memory_space<vmem>>, vector<16xi32>,
      tpu.vector_store %arg6[%swap3A_856, %swap3A_857], %broadcast_in_dim3A_3 {strides = array<i32>} : memref<32x1000xi32, #tpu.memory_space<vmem>>, vector<16xi32>,
      %swap3A_859 = arith.index_cast %scan3A_490 : i32 to index
      %swap3A_860 = arith.constant 960 : index
      %swap3A_861 = tpu.vector_load %arg6[%swap3A_859, %swap3A_860] {strides = array<i32>} : memref<32x1000xi32, #tpu.memory_space<vmem>>, vector<16xi32>,
      tpu.vector_store %arg6[%swap3A_859, %swap3A_860], %broadcast_in_dim3A_3 {strides = array<i32>} : memref<32x1000xi32, #tpu.memory_space<vmem>>, vector<16xi32>,
      %swap3A_862 = arith.index_cast %scan3A_490 : i32 to index
      %swap3A_863 = arith.constant 976 : index
      %swap3A_864 = tpu.vector_load %arg6[%swap3A_862, %swap3A_863] {strides = array<i32>} : memref<32x1000xi32, #tpu.memory_space<vmem>>, vector<16xi32>,
      tpu.vector_store %arg6[%swap3A_862, %swap3A_863], %broadcast_in_dim3A_3 {strides = array<i32>} : memref<32x1000xi32, #tpu.memory_space<vmem>>, vector<16xi32>,
      %swap3A_865 = arith.index_cast %scan3A_490 : i32 to index
      %swap3A_866 = arith.constant 984 : index
      %swap3A_867 = tpu.vector_load %arg6[%swap3A_865, %swap3A_866] {strides = array<i32>} : memref<32x1000xi32, #tpu.memory_space<vmem>>, vector<16xi32>,
      tpu.vector_store %arg6[%swap3A_865, %swap3A_866], %broadcast_in_dim3A_3 {strides = array<i32>} : memref<32x1000xi32, #tpu.memory_space<vmem>>, vector<16xi32>,
      %swap3A_868 = arith.index_cast %scan3A_490 : i32 to index
      %swap3A_869 = arith.constant 0 : index
      %swap3A_870 = tpu.vector_load %arg7[%swap3A_868, %swap3A_869] {strides = array<i32>} : memref<32x1000xi32, #tpu.memory_space<vmem>>, vector<16xi32>,
      tpu.vector_store %arg7[%swap3A_868, %swap3A_869], %broadcast_in_dim3A_3 {strides = array<i32>} : memref<32x1000xi32, #tpu.memory_space<vmem>>, vector<16xi32>,
      %swap3A_871 = arith.index_cast %scan3A_490 : i32 to index
      %swap3A_872 = arith.constant 16 : index
      %swap3A_873 = tpu.vector_load %arg7[%swap3A_871, %swap3A_872] {strides = array<i32>} : memref<32x1000xi32, #tpu.memory_space<vmem>>, vector<16xi32>,
      tpu.vector_store %arg7[%swap3A_871, %swap3A_872], %broadcast_in_dim3A_3 {strides = array<i32>} : memref<32x1000xi32, #tpu.memory_space<vmem>>, vector<16xi32>,
      %swap3A_874 = arith.index_cast %scan3A_490 : i32 to index
      %swap3A_875 = arith.constant 32 : index
      %swap3A_876 = tpu.vector_load %arg7[%swap3A_874, %swap3A_875] {strides = array<i32>} : memref<32x1000xi32, #tpu.memory_space<vmem>>, vector<16xi32>,
      tpu.vector_store %arg7[%swap3A_874, %swap3A_875], %broadcast_in_dim3A_3 {strides = array<i32>} : memref<32x1000xi32, #tpu.memory_space<vmem>>, vector<16xi32>,
      %swap3A_877 = arith.index_cast %scan3A_490 : i32 to index
      %swap3A_878 = arith.constant 48 : index
      %swap3A_879 = tpu.vector_load %arg7[%swap3A_877, %swap3A_878] {strides = array<i32>} : memref<32x1000xi32, #tpu.memory_space<vmem>>, vector<16xi32>,
      tpu.vector_store %arg7[%swap3A_877, %swap3A_878], %broadcast_in_dim3A_3 {strides = array<i32>} : memref<32x1000xi32, #tpu.memory_space<vmem>>, vector<16xi32>,
      %swap3A_880 = arith.index_cast %scan3A_490 : i32 to index
      %swap3A_881 = arith.constant 64 : index
      %swap3A_882 = tpu.vector_load %arg7[%swap3A_880, %swap3A_881] {strides = array<i32>} : memref<32x1000xi32, #tpu.memory_space<vmem>>, vector<16xi32>,
      tpu.vector_store %arg7[%swap3A_880, %swap3A_881], %broadcast_in_dim3A_3 {strides = array<i32>} : memref<32x1000xi32, #tpu.memory_space<vmem>>, vector<16xi32>,
      %swap3A_883 = arith.index_cast %scan3A_490 : i32 to index
      %swap3A_884 = arith.constant 80 : index
      %swap3A_885 = tpu.vector_load %arg7[%swap3A_883, %swap3A_884] {strides = array<i32>} : memref<32x1000xi32, #tpu.memory_space<vmem>>, vector<16xi32>,
      tpu.vector_store %arg7[%swap3A_883, %swap3A_884], %broadcast_in_dim3A_3 {strides = array<i32>} : memref<32x1000xi32, #tpu.memory_space<vmem>>, vector<16xi32>,
      %swap3A_886 = arith.index_cast %scan3A_490 : i32 to index
      %swap3A_887 = arith.constant 96 : index
      %swap3A_888 = tpu.vector_load %arg7[%swap3A_886, %swap3A_887] {strides = array<i32>} : memref<32x1000xi32, #tpu.memory_space<vmem>>, vector<16xi32>,
      tpu.vector_store %arg7[%swap3A_886, %swap3A_887], %broadcast_in_dim3A_3 {strides = array<i32>} : memref<32x1000xi32, #tpu.memory_space<vmem>>, vector<16xi32>,
      %swap3A_889 = arith.index_cast %scan3A_490 : i32 to index
      %swap3A_890 = arith.constant 112 : index
      %swap3A_891 = tpu.vector_load %arg7[%swap3A_889, %swap3A_890] {strides = array<i32>} : memref<32x1000xi32, #tpu.memory_space<vmem>>, vector<16xi32>,
      tpu.vector_store %arg7[%swap3A_889, %swap3A_890], %broadcast_in_dim3A_3 {strides = array<i32>} : memref<32x1000xi32, #tpu.memory_space<vmem>>, vector<16xi32>,
      %swap3A_892 = arith.index_cast %scan3A_490 : i32 to index
      %swap3A_893 = arith.constant 128 : index
      %swap3A_894 = tpu.vector_load %arg7[%swap3A_892, %swap3A_893] {strides = array<i32>} : memref<32x1000xi32, #tpu.memory_space<vmem>>, vector<16xi32>,
      tpu.vector_store %arg7[%swap3A_892, %swap3A_893], %broadcast_in_dim3A_3 {strides = array<i32>} : memref<32x1000xi32, #tpu.memory_space<vmem>>, vector<16xi32>,
      %swap3A_895 = arith.index_cast %scan3A_490 : i32 to index
      %swap3A_896 = arith.constant 144 : index
      %swap3A_897 = tpu.vector_load %arg7[%swap3A_895, %swap3A_896] {strides = array<i32>} : memref<32x1000xi32, #tpu.memory_space<vmem>>, vector<16xi32>,
      tpu.vector_store %arg7[%swap3A_895, %swap3A_896], %broadcast_in_dim3A_3 {strides = array<i32>} : memref<32x1000xi32, #tpu.memory_space<vmem>>, vector<16xi32>,
      %swap3A_898 = arith.index_cast %scan3A_490 : i32 to index
      %swap3A_899 = arith.constant 160 : index
      %swap3A_900 = tpu.vector_load %arg7[%swap3A_898, %swap3A_899] {strides = array<i32>} : memref<32x1000xi32, #tpu.memory_space<vmem>>, vector<16xi32>,
      tpu.vector_store %arg7[%swap3A_898, %swap3A_899], %broadcast_in_dim3A_3 {strides = array<i32>} : memref<32x1000xi32, #tpu.memory_space<vmem>>, vector<16xi32>,
      %swap3A_901 = arith.index_cast %scan3A_490 : i32 to index
      %swap3A_902 = arith.constant 176 : index
      %swap3A_903 = tpu.vector_load %arg7[%swap3A_901, %swap3A_902] {strides = array<i32>} : memref<32x1000xi32, #tpu.memory_space<vmem>>, vector<16xi32>,
      tpu.vector_store %arg7[%swap3A_901, %swap3A_902], %broadcast_in_dim3A_3 {strides = array<i32>} : memref<32x1000xi32, #tpu.memory_space<vmem>>, vector<16xi32>,
      %swap3A_904 = arith.index_cast %scan3A_490 : i32 to index
      %swap3A_905 = arith.constant 192 : index
      %swap3A_906 = tpu.vector_load %arg7[%swap3A_904, %swap3A_905] {strides = array<i32>} : memref<32x1000xi32, #tpu.memory_space<vmem>>, vector<16xi32>,
      tpu.vector_store %arg7[%swap3A_904, %swap3A_905], %broadcast_in_dim3A_3 {strides = array<i32>} : memref<32x1000xi32, #tpu.memory_space<vmem>>, vector<16xi32>,
      %swap3A_907 = arith.index_cast %scan3A_490 : i32 to index
      %swap3A_908 = arith.constant 208 : index
      %swap3A_909 = tpu.vector_load %arg7[%swap3A_907, %swap3A_908] {strides = array<i32>} : memref<32x1000xi32, #tpu.memory_space<vmem>>, vector<16xi32>,
      tpu.vector_store %arg7[%swap3A_907, %swap3A_908], %broadcast_in_dim3A_3 {strides = array<i32>} : memref<32x1000xi32, #tpu.memory_space<vmem>>, vector<16xi32>,
      %swap3A_910 = arith.index_cast %scan3A_490 : i32 to index
      %swap3A_911 = arith.constant 224 : index
      %swap3A_912 = tpu.vector_load %arg7[%swap3A_910, %swap3A_911] {strides = array<i32>} : memref<32x1000xi32, #tpu.memory_space<vmem>>, vector<16xi32>,
      tpu.vector_store %arg7[%swap3A_910, %swap3A_911], %broadcast_in_dim3A_3 {strides = array<i32>} : memref<32x1000xi32, #tpu.memory_space<vmem>>, vector<16xi32>,
      %swap3A_913 = arith.index_cast %scan3A_490 : i32 to index
      %swap3A_914 = arith.constant 240 : index
      %swap3A_915 = tpu.vector_load %arg7[%swap3A_913, %swap3A_914] {strides = array<i32>} : memref<32x1000xi32, #tpu.memory_space<vmem>>, vector<16xi32>,
      tpu.vector_store %arg7[%swap3A_913, %swap3A_914], %broadcast_in_dim3A_3 {strides = array<i32>} : memref<32x1000xi32, #tpu.memory_space<vmem>>, vector<16xi32>,
      %swap3A_916 = arith.index_cast %scan3A_490 : i32 to index
      %swap3A_917 = arith.constant 256 : index
      %swap3A_918 = tpu.vector_load %arg7[%swap3A_916, %swap3A_917] {strides = array<i32>} : memref<32x1000xi32, #tpu.memory_space<vmem>>, vector<16xi32>,
      tpu.vector_store %arg7[%swap3A_916, %swap3A_917], %broadcast_in_dim3A_3 {strides = array<i32>} : memref<32x1000xi32, #tpu.memory_space<vmem>>, vector<16xi32>,
      %swap3A_919 = arith.index_cast %scan3A_490 : i32 to index
      %swap3A_920 = arith.constant 272 : index
      %swap3A_921 = tpu.vector_load %arg7[%swap3A_919, %swap3A_920] {strides = array<i32>} : memref<32x1000xi32, #tpu.memory_space<vmem>>, vector<16xi32>,
      tpu.vector_store %arg7[%swap3A_919, %swap3A_920], %broadcast_in_dim3A_3 {strides = array<i32>} : memref<32x1000xi32, #tpu.memory_space<vmem>>, vector<16xi32>,
      %swap3A_922 = arith.index_cast %scan3A_490 : i32 to index
      %swap3A_923 = arith.constant 288 : index
      %swap3A_924 = tpu.vector_load %arg7[%swap3A_922, %swap3A_923] {strides = array<i32>} : memref<32x1000xi32, #tpu.memory_space<vmem>>, vector<16xi32>,
      tpu.vector_store %arg7[%swap3A_922, %swap3A_923], %broadcast_in_dim3A_3 {strides = array<i32>} : memref<32x1000xi32, #tpu.memory_space<vmem>>, vector<16xi32>,
      %swap3A_925 = arith.index_cast %scan3A_490 : i32 to index
      %swap3A_926 = arith.constant 304 : index
      %swap3A_927 = tpu.vector_load %arg7[%swap3A_925, %swap3A_926] {strides = array<i32>} : memref<32x1000xi32, #tpu.memory_space<vmem>>, vector<16xi32>,
      tpu.vector_store %arg7[%swap3A_925, %swap3A_926], %broadcast_in_dim3A_3 {strides = array<i32>} : memref<32x1000xi32, #tpu.memory_space<vmem>>, vector<16xi32>,
      %swap3A_928 = arith.index_cast %scan3A_490 : i32 to index
      %swap3A_929 = arith.constant 320 : index
      %swap3A_930 = tpu.vector_load %arg7[%swap3A_928, %swap3A_929] {strides = array<i32>} : memref<32x1000xi32, #tpu.memory_space<vmem>>, vector<16xi32>,
      tpu.vector_store %arg7[%swap3A_928, %swap3A_929], %broadcast_in_dim3A_3 {strides = array<i32>} : memref<32x1000xi32, #tpu.memory_space<vmem>>, vector<16xi32>,
      %swap3A_931 = arith.index_cast %scan3A_490 : i32 to index
      %swap3A_932 = arith.constant 336 : index
      %swap3A_933 = tpu.vector_load %arg7[%swap3A_931, %swap3A_932] {strides = array<i32>} : memref<32x1000xi32, #tpu.memory_space<vmem>>, vector<16xi32>,
      tpu.vector_store %arg7[%swap3A_931, %swap3A_932], %broadcast_in_dim3A_3 {strides = array<i32>} : memref<32x1000xi32, #tpu.memory_space<vmem>>, vector<16xi32>,
      %swap3A_934 = arith.index_cast %scan3A_490 : i32 to index
      %swap3A_935 = arith.constant 352 : index
      %swap3A_936 = tpu.vector_load %arg7[%swap3A_934, %swap3A_935] {strides = array<i32>} : memref<32x1000xi32, #tpu.memory_space<vmem>>, vector<16xi32>,
      tpu.vector_store %arg7[%swap3A_934, %swap3A_935], %broadcast_in_dim3A_3 {strides = array<i32>} : memref<32x1000xi32, #tpu.memory_space<vmem>>, vector<16xi32>,
      %swap3A_937 = arith.index_cast %scan3A_490 : i32 to index
      %swap3A_938 = arith.constant 368 : index
      %swap3A_939 = tpu.vector_load %arg7[%swap3A_937, %swap3A_938] {strides = array<i32>} : memref<32x1000xi32, #tpu.memory_space<vmem>>, vector<16xi32>,
      tpu.vector_store %arg7[%swap3A_937, %swap3A_938], %broadcast_in_dim3A_3 {strides = array<i32>} : memref<32x1000xi32, #tpu.memory_space<vmem>>, vector<16xi32>,
      %swap3A_940 = arith.index_cast %scan3A_490 : i32 to index
      %swap3A_941 = arith.constant 384 : index
      %swap3A_942 = tpu.vector_load %arg7[%swap3A_940, %swap3A_941] {strides = array<i32>} : memref<32x1000xi32, #tpu.memory_space<vmem>>, vector<16xi32>,
      tpu.vector_store %arg7[%swap3A_940, %swap3A_941], %broadcast_in_dim3A_3 {strides = array<i32>} : memref<32x1000xi32, #tpu.memory_space<vmem>>, vector<16xi32>,
      %swap3A_943 = arith.index_cast %scan3A_490 : i32 to index
      %swap3A_944 = arith.constant 400 : index
      %swap3A_945 = tpu.vector_load %arg7[%swap3A_943, %swap3A_944] {strides = array<i32>} : memref<32x1000xi32, #tpu.memory_space<vmem>>, vector<16xi32>,
      tpu.vector_store %arg7[%swap3A_943, %swap3A_944], %broadcast_in_dim3A_3 {strides = array<i32>} : memref<32x1000xi32, #tpu.memory_space<vmem>>, vector<16xi32>,
      %swap3A_946 = arith.index_cast %scan3A_490 : i32 to index
      %swap3A_947 = arith.constant 416 : index
      %swap3A_948 = tpu.vector_load %arg7[%swap3A_946, %swap3A_947] {strides = array<i32>} : memref<32x1000xi32, #tpu.memory_space<vmem>>, vector<16xi32>,
      tpu.vector_store %arg7[%swap3A_946, %swap3A_947], %broadcast_in_dim3A_3 {strides = array<i32>} : memref<32x1000xi32, #tpu.memory_space<vmem>>, vector<16xi32>,
      %swap3A_949 = arith.index_cast %scan3A_490 : i32 to index
      %swap3A_950 = arith.constant 432 : index
      %swap3A_951 = tpu.vector_load %arg7[%swap3A_949, %swap3A_950] {strides = array<i32>} : memref<32x1000xi32, #tpu.memory_space<vmem>>, vector<16xi32>,
      tpu.vector_store %arg7[%swap3A_949, %swap3A_950], %broadcast_in_dim3A_3 {strides = array<i32>} : memref<32x1000xi32, #tpu.memory_space<vmem>>, vector<16xi32>,
      %swap3A_952 = arith.index_cast %scan3A_490 : i32 to index
      %swap3A_953 = arith.constant 448 : index
      %swap3A_954 = tpu.vector_load %arg7[%swap3A_952, %swap3A_953] {strides = array<i32>} : memref<32x1000xi32, #tpu.memory_space<vmem>>, vector<16xi32>,
      tpu.vector_store %arg7[%swap3A_952, %swap3A_953], %broadcast_in_dim3A_3 {strides = array<i32>} : memref<32x1000xi32, #tpu.memory_space<vmem>>, vector<16xi32>,
      %swap3A_955 = arith.index_cast %scan3A_490 : i32 to index
      %swap3A_956 = arith.constant 464 : index
      %swap3A_957 = tpu.vector_load %arg7[%swap3A_955, %swap3A_956] {strides = array<i32>} : memref<32x1000xi32, #tpu.memory_space<vmem>>, vector<16xi32>,
      tpu.vector_store %arg7[%swap3A_955, %swap3A_956], %broadcast_in_dim3A_3 {strides = array<i32>} : memref<32x1000xi32, #tpu.memory_space<vmem>>, vector<16xi32>,
      %swap3A_958 = arith.index_cast %scan3A_490 : i32 to index
      %swap3A_959 = arith.constant 480 : index
      %swap3A_960 = tpu.vector_load %arg7[%swap3A_958, %swap3A_959] {strides = array<i32>} : memref<32x1000xi32, #tpu.memory_space<vmem>>, vector<16xi32>,
      tpu.vector_store %arg7[%swap3A_958, %swap3A_959], %broadcast_in_dim3A_3 {strides = array<i32>} : memref<32x1000xi32, #tpu.memory_space<vmem>>, vector<16xi32>,
      %swap3A_961 = arith.index_cast %scan3A_490 : i32 to index
      %swap3A_962 = arith.constant 496 : index
      %swap3A_963 = tpu.vector_load %arg7[%swap3A_961, %swap3A_962] {strides = array<i32>} : memref<32x1000xi32, #tpu.memory_space<vmem>>, vector<16xi32>,
      tpu.vector_store %arg7[%swap3A_961, %swap3A_962], %broadcast_in_dim3A_3 {strides = array<i32>} : memref<32x1000xi32, #tpu.memory_space<vmem>>, vector<16xi32>,
      %swap3A_964 = arith.index_cast %scan3A_490 : i32 to index
      %swap3A_965 = arith.constant 512 : index
      %swap3A_966 = tpu.vector_load %arg7[%swap3A_964, %swap3A_965] {strides = array<i32>} : memref<32x1000xi32, #tpu.memory_space<vmem>>, vector<16xi32>,
      tpu.vector_store %arg7[%swap3A_964, %swap3A_965], %broadcast_in_dim3A_3 {strides = array<i32>} : memref<32x1000xi32, #tpu.memory_space<vmem>>, vector<16xi32>,
      %swap3A_967 = arith.index_cast %scan3A_490 : i32 to index
      %swap3A_968 = arith.constant 528 : index
      %swap3A_969 = tpu.vector_load %arg7[%swap3A_967, %swap3A_968] {strides = array<i32>} : memref<32x1000xi32, #tpu.memory_space<vmem>>, vector<16xi32>,
      tpu.vector_store %arg7[%swap3A_967, %swap3A_968], %broadcast_in_dim3A_3 {strides = array<i32>} : memref<32x1000xi32, #tpu.memory_space<vmem>>, vector<16xi32>,
      %swap3A_970 = arith.index_cast %scan3A_490 : i32 to index
      %swap3A_971 = arith.constant 544 : index
      %swap3A_972 = tpu.vector_load %arg7[%swap3A_970, %swap3A_971] {strides = array<i32>} : memref<32x1000xi32, #tpu.memory_space<vmem>>, vector<16xi32>,
      tpu.vector_store %arg7[%swap3A_970, %swap3A_971], %broadcast_in_dim3A_3 {strides = array<i32>} : memref<32x1000xi32, #tpu.memory_space<vmem>>, vector<16xi32>,
      %swap3A_973 = arith.index_cast %scan3A_490 : i32 to index
      %swap3A_974 = arith.constant 560 : index
      %swap3A_975 = tpu.vector_load %arg7[%swap3A_973, %swap3A_974] {strides = array<i32>} : memref<32x1000xi32, #tpu.memory_space<vmem>>, vector<16xi32>,
      tpu.vector_store %arg7[%swap3A_973, %swap3A_974], %broadcast_in_dim3A_3 {strides = array<i32>} : memref<32x1000xi32, #tpu.memory_space<vmem>>, vector<16xi32>,
      %swap3A_976 = arith.index_cast %scan3A_490 : i32 to index
      %swap3A_977 = arith.constant 576 : index
      %swap3A_978 = tpu.vector_load %arg7[%swap3A_976, %swap3A_977] {strides = array<i32>} : memref<32x1000xi32, #tpu.memory_space<vmem>>, vector<16xi32>,
      tpu.vector_store %arg7[%swap3A_976, %swap3A_977], %broadcast_in_dim3A_3 {strides = array<i32>} : memref<32x1000xi32, #tpu.memory_space<vmem>>, vector<16xi32>,
      %swap3A_979 = arith.index_cast %scan3A_490 : i32 to index
      %swap3A_980 = arith.constant 592 : index
      %swap3A_981 = tpu.vector_load %arg7[%swap3A_979, %swap3A_980] {strides = array<i32>} : memref<32x1000xi32, #tpu.memory_space<vmem>>, vector<16xi32>,
      tpu.vector_store %arg7[%swap3A_979, %swap3A_980], %broadcast_in_dim3A_3 {strides = array<i32>} : memref<32x1000xi32, #tpu.memory_space<vmem>>, vector<16xi32>,
      %swap3A_982 = arith.index_cast %scan3A_490 : i32 to index
      %swap3A_983 = arith.constant 608 : index
      %swap3A_984 = tpu.vector_load %arg7[%swap3A_982, %swap3A_983] {strides = array<i32>} : memref<32x1000xi32, #tpu.memory_space<vmem>>, vector<16xi32>,
      tpu.vector_store %arg7[%swap3A_982, %swap3A_983], %broadcast_in_dim3A_3 {strides = array<i32>} : memref<32x1000xi32, #tpu.memory_space<vmem>>, vector<16xi32>,
      %swap3A_985 = arith.index_cast %scan3A_490 : i32 to index
      %swap3A_986 = arith.constant 624 : index
      %swap3A_987 = tpu.vector_load %arg7[%swap3A_985, %swap3A_986] {strides = array<i32>} : memref<32x1000xi32, #tpu.memory_space<vmem>>, vector<16xi32>,
      tpu.vector_store %arg7[%swap3A_985, %swap3A_986], %broadcast_in_dim3A_3 {strides = array<i32>} : memref<32x1000xi32, #tpu.memory_space<vmem>>, vector<16xi32>,
      %swap3A_988 = arith.index_cast %scan3A_490 : i32 to index
      %swap3A_989 = arith.constant 640 : index
      %swap3A_990 = tpu.vector_load %arg7[%swap3A_988, %swap3A_989] {strides = array<i32>} : memref<32x1000xi32, #tpu.memory_space<vmem>>, vector<16xi32>,
      tpu.vector_store %arg7[%swap3A_988, %swap3A_989], %broadcast_in_dim3A_3 {strides = array<i32>} : memref<32x1000xi32, #tpu.memory_space<vmem>>, vector<16xi32>,
      %swap3A_991 = arith.index_cast %scan3A_490 : i32 to index
      %swap3A_992 = arith.constant 656 : index
      %swap3A_993 = tpu.vector_load %arg7[%swap3A_991, %swap3A_992] {strides = array<i32>} : memref<32x1000xi32, #tpu.memory_space<vmem>>, vector<16xi32>,
      tpu.vector_store %arg7[%swap3A_991, %swap3A_992], %broadcast_in_dim3A_3 {strides = array<i32>} : memref<32x1000xi32, #tpu.memory_space<vmem>>, vector<16xi32>,
      %swap3A_994 = arith.index_cast %scan3A_490 : i32 to index
      %swap3A_995 = arith.constant 672 : index
      %swap3A_996 = tpu.vector_load %arg7[%swap3A_994, %swap3A_995] {strides = array<i32>} : memref<32x1000xi32, #tpu.memory_space<vmem>>, vector<16xi32>,
      tpu.vector_store %arg7[%swap3A_994, %swap3A_995], %broadcast_in_dim3A_3 {strides = array<i32>} : memref<32x1000xi32, #tpu.memory_space<vmem>>, vector<16xi32>,
      %swap3A_997 = arith.index_cast %scan3A_490 : i32 to index
      %swap3A_998 = arith.constant 688 : index
      %swap3A_999 = tpu.vector_load %arg7[%swap3A_997, %swap3A_998] {strides = array<i32>} : memref<32x1000xi32, #tpu.memory_space<vmem>>, vector<16xi32>,
      tpu.vector_store %arg7[%swap3A_997, %swap3A_998], %broadcast_in_dim3A_3 {strides = array<i32>} : memref<32x1000xi32, #tpu.memory_space<vmem>>, vector<16xi32>,
      %swap3A_1000 = arith.index_cast %scan3A_490 : i32 to index
      %swap3A_1001 = arith.constant 704 : index
      %swap3A_1002 = tpu.vector_load %arg7[%swap3A_1000, %swap3A_1001] {strides = array<i32>} : memref<32x1000xi32, #tpu.memory_space<vmem>>, vector<16xi32>,
      tpu.vector_store %arg7[%swap3A_1000, %swap3A_1001], %broadcast_in_dim3A_3 {strides = array<i32>} : memref<32x1000xi32, #tpu.memory_space<vmem>>, vector<16xi32>,
      %swap3A_1003 = arith.index_cast %scan3A_490 : i32 to index
      %swap3A_1004 = arith.constant 720 : index
      %swap3A_1005 = tpu.vector_load %arg7[%swap3A_1003, %swap3A_1004] {strides = array<i32>} : memref<32x1000xi32, #tpu.memory_space<vmem>>, vector<16xi32>,
      tpu.vector_store %arg7[%swap3A_1003, %swap3A_1004], %broadcast_in_dim3A_3 {strides = array<i32>} : memref<32x1000xi32, #tpu.memory_space<vmem>>, vector<16xi32>,
      %swap3A_1006 = arith.index_cast %scan3A_490 : i32 to index
      %swap3A_1007 = arith.constant 736 : index
      %swap3A_1008 = tpu.vector_load %arg7[%swap3A_1006, %swap3A_1007] {strides = array<i32>} : memref<32x1000xi32, #tpu.memory_space<vmem>>, vector<16xi32>,
      tpu.vector_store %arg7[%swap3A_1006, %swap3A_1007], %broadcast_in_dim3A_3 {strides = array<i32>} : memref<32x1000xi32, #tpu.memory_space<vmem>>, vector<16xi32>,
      %swap3A_1009 = arith.index_cast %scan3A_490 : i32 to index
      %swap3A_1010 = arith.constant 752 : index
      %swap3A_1011 = tpu.vector_load %arg7[%swap3A_1009, %swap3A_1010] {strides = array<i32>} : memref<32x1000xi32, #tpu.memory_space<vmem>>, vector<16xi32>,
      tpu.vector_store %arg7[%swap3A_1009, %swap3A_1010], %broadcast_in_dim3A_3 {strides = array<i32>} : memref<32x1000xi32, #tpu.memory_space<vmem>>, vector<16xi32>,
      %swap3A_1012 = arith.index_cast %scan3A_490 : i32 to index
      %swap3A_1013 = arith.constant 768 : index
      %swap3A_1014 = tpu.vector_load %arg7[%swap3A_1012, %swap3A_1013] {strides = array<i32>} : memref<32x1000xi32, #tpu.memory_space<vmem>>, vector<16xi32>,
      tpu.vector_store %arg7[%swap3A_1012, %swap3A_1013], %broadcast_in_dim3A_3 {strides = array<i32>} : memref<32x1000xi32, #tpu.memory_space<vmem>>, vector<16xi32>,
      %swap3A_1015 = arith.index_cast %scan3A_490 : i32 to index
      %swap3A_1016 = arith.constant 784 : index
      %swap3A_1017 = tpu.vector_load %arg7[%swap3A_1015, %swap3A_1016] {strides = array<i32>} : memref<32x1000xi32, #tpu.memory_space<vmem>>, vector<16xi32>,
      tpu.vector_store %arg7[%swap3A_1015, %swap3A_1016], %broadcast_in_dim3A_3 {strides = array<i32>} : memref<32x1000xi32, #tpu.memory_space<vmem>>, vector<16xi32>,
      %swap3A_1018 = arith.index_cast %scan3A_490 : i32 to index
      %swap3A_1019 = arith.constant 800 : index
      %swap3A_1020 = tpu.vector_load %arg7[%swap3A_1018, %swap3A_1019] {strides = array<i32>} : memref<32x1000xi32, #tpu.memory_space<vmem>>, vector<16xi32>,
      tpu.vector_store %arg7[%swap3A_1018, %swap3A_1019], %broadcast_in_dim3A_3 {strides = array<i32>} : memref<32x1000xi32, #tpu.memory_space<vmem>>, vector<16xi32>,
      %swap3A_1021 = arith.index_cast %scan3A_490 : i32 to index
      %swap3A_1022 = arith.constant 816 : index
      %swap3A_1023 = tpu.vector_load %arg7[%swap3A_1021, %swap3A_1022] {strides = array<i32>} : memref<32x1000xi32, #tpu.memory_space<vmem>>, vector<16xi32>,
      tpu.vector_store %arg7[%swap3A_1021, %swap3A_1022], %broadcast_in_dim3A_3 {strides = array<i32>} : memref<32x1000xi32, #tpu.memory_space<vmem>>, vector<16xi32>,
      %swap3A_1024 = arith.index_cast %scan3A_490 : i32 to index
      %swap3A_1025 = arith.constant 832 : index
      %swap3A_1026 = tpu.vector_load %arg7[%swap3A_1024, %swap3A_1025] {strides = array<i32>} : memref<32x1000xi32, #tpu.memory_space<vmem>>, vector<16xi32>,
      tpu.vector_store %arg7[%swap3A_1024, %swap3A_1025], %broadcast_in_dim3A_3 {strides = array<i32>} : memref<32x1000xi32, #tpu.memory_space<vmem>>, vector<16xi32>,
      %swap3A_1027 = arith.index_cast %scan3A_490 : i32 to index
      %swap3A_1028 = arith.constant 848 : index
      %swap3A_1029 = tpu.vector_load %arg7[%swap3A_1027, %swap3A_1028] {strides = array<i32>} : memref<32x1000xi32, #tpu.memory_space<vmem>>, vector<16xi32>,
      tpu.vector_store %arg7[%swap3A_1027, %swap3A_1028], %broadcast_in_dim3A_3 {strides = array<i32>} : memref<32x1000xi32, #tpu.memory_space<vmem>>, vector<16xi32>,
      %swap3A_1030 = arith.index_cast %scan3A_490 : i32 to index
      %swap3A_1031 = arith.constant 864 : index
      %swap3A_1032 = tpu.vector_load %arg7[%swap3A_1030, %swap3A_1031] {strides = array<i32>} : memref<32x1000xi32, #tpu.memory_space<vmem>>, vector<16xi32>,
      tpu.vector_store %arg7[%swap3A_1030, %swap3A_1031], %broadcast_in_dim3A_3 {strides = array<i32>} : memref<32x1000xi32, #tpu.memory_space<vmem>>, vector<16xi32>,
      %swap3A_1033 = arith.index_cast %scan3A_490 : i32 to index
      %swap3A_1034 = arith.constant 880 : index
      %swap3A_1035 = tpu.vector_load %arg7[%swap3A_1033, %swap3A_1034] {strides = array<i32>} : memref<32x1000xi32, #tpu.memory_space<vmem>>, vector<16xi32>,
      tpu.vector_store %arg7[%swap3A_1033, %swap3A_1034], %broadcast_in_dim3A_3 {strides = array<i32>} : memref<32x1000xi32, #tpu.memory_space<vmem>>, vector<16xi32>,
      %swap3A_1036 = arith.index_cast %scan3A_490 : i32 to index
      %swap3A_1037 = arith.constant 896 : index
      %swap3A_1038 = tpu.vector_load %arg7[%swap3A_1036, %swap3A_1037] {strides = array<i32>} : memref<32x1000xi32, #tpu.memory_space<vmem>>, vector<16xi32>,
      tpu.vector_store %arg7[%swap3A_1036, %swap3A_1037], %broadcast_in_dim3A_3 {strides = array<i32>} : memref<32x1000xi32, #tpu.memory_space<vmem>>, vector<16xi32>,
      %swap3A_1039 = arith.index_cast %scan3A_490 : i32 to index
      %swap3A_1040 = arith.constant 912 : index
      %swap3A_1041 = tpu.vector_load %arg7[%swap3A_1039, %swap3A_1040] {strides = array<i32>} : memref<32x1000xi32, #tpu.memory_space<vmem>>, vector<16xi32>,
      tpu.vector_store %arg7[%swap3A_1039, %swap3A_1040], %broadcast_in_dim3A_3 {strides = array<i32>} : memref<32x1000xi32, #tpu.memory_space<vmem>>, vector<16xi32>,
      %swap3A_1042 = arith.index_cast %scan3A_490 : i32 to index
      %swap3A_1043 = arith.constant 928 : index
      %swap3A_1044 = tpu.vector_load %arg7[%swap3A_1042, %swap3A_1043] {strides = array<i32>} : memref<32x1000xi32, #tpu.memory_space<vmem>>, vector<16xi32>,
      tpu.vector_store %arg7[%swap3A_1042, %swap3A_1043], %broadcast_in_dim3A_3 {strides = array<i32>} : memref<32x1000xi32, #tpu.memory_space<vmem>>, vector<16xi32>,
      %swap3A_1045 = arith.index_cast %scan3A_490 : i32 to index
      %swap3A_1046 = arith.constant 944 : index
      %swap3A_1047 = tpu.vector_load %arg7[%swap3A_1045, %swap3A_1046] {strides = array<i32>} : memref<32x1000xi32, #tpu.memory_space<vmem>>, vector<16xi32>,
      tpu.vector_store %arg7[%swap3A_1045, %swap3A_1046], %broadcast_in_dim3A_3 {strides = array<i32>} : memref<32x1000xi32, #tpu.memory_space<vmem>>, vector<16xi32>,
      %swap3A_1048 = arith.index_cast %scan3A_490 : i32 to index
      %swap3A_1049 = arith.constant 960 : index
      %swap3A_1050 = tpu.vector_load %arg7[%swap3A_1048, %swap3A_1049] {strides = array<i32>} : memref<32x1000xi32, #tpu.memory_space<vmem>>, vector<16xi32>,
      tpu.vector_store %arg7[%swap3A_1048, %swap3A_1049], %broadcast_in_dim3A_3 {strides = array<i32>} : memref<32x1000xi32, #tpu.memory_space<vmem>>, vector<16xi32>,
      %swap3A_1051 = arith.index_cast %scan3A_490 : i32 to index
      %swap3A_1052 = arith.constant 976 : index
      %swap3A_1053 = tpu.vector_load %arg7[%swap3A_1051, %swap3A_1052] {strides = array<i32>} : memref<32x1000xi32, #tpu.memory_space<vmem>>, vector<16xi32>,
      tpu.vector_store %arg7[%swap3A_1051, %swap3A_1052], %broadcast_in_dim3A_3 {strides = array<i32>} : memref<32x1000xi32, #tpu.memory_space<vmem>>, vector<16xi32>,
      %swap3A_1054 = arith.index_cast %scan3A_490 : i32 to index
      %swap3A_1055 = arith.constant 984 : index
      %swap3A_1056 = tpu.vector_load %arg7[%swap3A_1054, %swap3A_1055] {strides = array<i32>} : memref<32x1000xi32, #tpu.memory_space<vmem>>, vector<16xi32>,
      tpu.vector_store %arg7[%swap3A_1054, %swap3A_1055], %broadcast_in_dim3A_3 {strides = array<i32>} : memref<32x1000xi32, #tpu.memory_space<vmem>>, vector<16xi32>,
    }
    %scan3A_10 = arith.constant 32 : i32
    %get3A = arith.constant 0 : index
    %get3A_11 = tpu.vector_load %arg4[%get3A] {strides = array<i32>} : memref<512xi32, #tpu.memory_space<vmem>>, vector<16xi32>,
    %add3A_12 = arith.constant 0 : i32
    %add3A_13 = vector.broadcast %add3A_12 : i32 to vector<16xi32>
    %add3A_14 = arith.addi %add3A_13, %iota3A : vector<16xi32>
    tpu.vector_store_idx %arg5[%add3A_14, %get3A_11], %broadcast_in_dim3A_5 : memref<32x1000xi32, #tpu.memory_space<vmem>>[vector<16xi32>, vector<16xi32>], vector<16xi32>,
    %get3A_15 = arith.constant 16 : index
    %get3A_16 = tpu.vector_load %arg4[%get3A_15] {strides = array<i32>} : memref<512xi32, #tpu.memory_space<vmem>>, vector<16xi32>,
    %add3A_17 = arith.constant 16 : i32
    %add3A_18 = vector.broadcast %add3A_17 : i32 to vector<16xi32>
    %add3A_19 = arith.addi %add3A_18, %iota3A : vector<16xi32>
    tpu.vector_store_idx %arg5[%add3A_19, %get3A_16], %broadcast_in_dim3A_5 : memref<32x1000xi32, #tpu.memory_space<vmem>>[vector<16xi32>, vector<16xi32>], vector<16xi32>,
    %add3A_20 = arith.constant 0 : i32
    %add3A_21 = arith.addi %mul3A_2, %add3A_20 : i32
    %dma_start3A = arith.constant 0 : i32
    %dma_start3A_22 = tpu.memref_slice %arg3[%add3A_21, %dma_start3A] : memref<16384x1000xi32, #tpu.memory_space<hbm>> -> memref<32x1000xi32, #tpu.memory_space<hbm>>
    %dma_start3A_23 = arith.constant 0 : i32
    %dma_start3A_24 = tpu.memref_slice %arg3[%add3A_21, %dma_start3A_23] : memref<16384x1000xi32, #tpu.memory_space<hbm>> -> memref<32x1000xi32, #tpu.memory_space<hbm>>
    tpu.enqueue_dma source(%arg5 : memref<32x1000xi32, #tpu.memory_space<vmem>>) target(%dma_start3A_24 : memref<32x1000xi32, #tpu.memory_space<hbm>>) target_semaphore(%arg8 : memref<!tpu.dma_semaphore, #tpu.memory_space<semaphore_mem>>)
    %get3A_25 = arith.constant 32 : index
    %get3A_26 = tpu.vector_load %arg4[%get3A_25] {strides = array<i32>} : memref<512xi32, #tpu.memory_space<vmem>>, vector<16xi32>,
    %add3A_27 = arith.constant 0 : i32
    %add3A_28 = vector.broadcast %add3A_27 : i32 to vector<16xi32>
    %add3A_29 = arith.addi %add3A_28, %iota3A : vector<16xi32>
    tpu.vector_store_idx %arg6[%add3A_29, %get3A_26], %broadcast_in_dim3A_5 : memref<32x1000xi32, #tpu.memory_space<vmem>>[vector<16xi32>, vector<16xi32>], vector<16xi32>,
    %get3A_30 = arith.constant 48 : index
    %get3A_31 = tpu.vector_load %arg4[%get3A_30] {strides = array<i32>} : memref<512xi32, #tpu.memory_space<vmem>>, vector<16xi32>,
    %add3A_32 = arith.constant 16 : i32
    %add3A_33 = vector.broadcast %add3A_32 : i32 to vector<16xi32>
    %add3A_34 = arith.addi %add3A_33, %iota3A : vector<16xi32>
    tpu.vector_store_idx %arg6[%add3A_34, %get3A_31], %broadcast_in_dim3A_5 : memref<32x1000xi32, #tpu.memory_space<vmem>>[vector<16xi32>, vector<16xi32>], vector<16xi32>,
    %add3A_35 = arith.constant 32 : i32
    %add3A_36 = arith.addi %mul3A_2, %add3A_35 : i32
    %dma_start3A_37 = arith.constant 0 : i32
    %dma_start3A_38 = tpu.memref_slice %arg3[%add3A_36, %dma_start3A_37] : memref<16384x1000xi32, #tpu.memory_space<hbm>> -> memref<32x1000xi32, #tpu.memory_space<hbm>>
    %dma_start3A_39 = arith.constant 0 : i32
    %dma_start3A_40 = tpu.memref_slice %arg3[%add3A_36, %dma_start3A_39] : memref<16384x1000xi32, #tpu.memory_space<hbm>> -> memref<32x1000xi32, #tpu.memory_space<hbm>>
    tpu.enqueue_dma source(%arg6 : memref<32x1000xi32, #tpu.memory_space<vmem>>) target(%dma_start3A_40 : memref<32x1000xi32, #tpu.memory_space<hbm>>) target_semaphore(%arg9 : memref<!tpu.dma_semaphore, #tpu.memory_space<semaphore_mem>>)
    %get3A_41 = arith.constant 64 : index
    %get3A_42 = tpu.vector_load %arg4[%get3A_41] {strides = array<i32>} : memref<512xi32, #tpu.memory_space<vmem>>, vector<16xi32>,
    %add3A_43 = arith.constant 0 : i32
    %add3A_44 = vector.broadcast %add3A_43 : i32 to vector<16xi32>
    %add3A_45 = arith.addi %add3A_44, %iota3A : vector<16xi32>
    tpu.vector_store_idx %arg7[%add3A_45, %get3A_42], %broadcast_in_dim3A_5 : memref<32x1000xi32, #tpu.memory_space<vmem>>[vector<16xi32>, vector<16xi32>], vector<16xi32>,
    %get3A_46 = arith.constant 80 : index
    %get3A_47 = tpu.vector_load %arg4[%get3A_46] {strides = array<i32>} : memref<512xi32, #tpu.memory_space<vmem>>, vector<16xi32>,
    %add3A_48 = arith.constant 16 : i32
    %add3A_49 = vector.broadcast %add3A_48 : i32 to vector<16xi32>
    %add3A_50 = arith.addi %add3A_49, %iota3A : vector<16xi32>
    tpu.vector_store_idx %arg7[%add3A_50, %get3A_47], %broadcast_in_dim3A_5 : memref<32x1000xi32, #tpu.memory_space<vmem>>[vector<16xi32>, vector<16xi32>], vector<16xi32>,
    %add3A_51 = arith.constant 64 : i32
    %add3A_52 = arith.addi %mul3A_2, %add3A_51 : i32
    %dma_start3A_53 = arith.constant 0 : i32
    %dma_start3A_54 = tpu.memref_slice %arg3[%add3A_52, %dma_start3A_53] : memref<16384x1000xi32, #tpu.memory_space<hbm>> -> memref<32x1000xi32, #tpu.memory_space<hbm>>
    %dma_start3A_55 = arith.constant 0 : i32
    %dma_start3A_56 = tpu.memref_slice %arg3[%add3A_52, %dma_start3A_55] : memref<16384x1000xi32, #tpu.memory_space<hbm>> -> memref<32x1000xi32, #tpu.memory_space<hbm>>
    tpu.enqueue_dma source(%arg7 : memref<32x1000xi32, #tpu.memory_space<vmem>>) target(%dma_start3A_56 : memref<32x1000xi32, #tpu.memory_space<hbm>>) target_semaphore(%arg10 : memref<!tpu.dma_semaphore, #tpu.memory_space<semaphore_mem>>)
    %add3A_57 = arith.constant 0 : i32
    %add3A_58 = arith.addi %mul3A_2, %add3A_57 : i32
    %dma_wait3A = arith.constant 0 : i32
    %dma_wait3A_59 = tpu.memref_slice %arg3[%add3A_58, %dma_wait3A] : memref<16384x1000xi32, #tpu.memory_space<hbm>> -> memref<32x1000xi32, #tpu.memory_space<hbm>>
    %dma_wait3A_60 = arith.constant 0 : i32
    %dma_wait3A_61 = tpu.memref_slice %arg3[%add3A_58, %dma_wait3A_60] : memref<16384x1000xi32, #tpu.memory_space<hbm>> -> memref<32x1000xi32, #tpu.memory_space<hbm>>
    tpu.wait_dma2 semaphore(%arg8 : memref<!tpu.dma_semaphore, #tpu.memory_space<semaphore_mem>>) src(%arg5 : memref<32x1000xi32, #tpu.memory_space<vmem>>) dst(%dma_wait3A_61 : memref<32x1000xi32, #tpu.memory_space<hbm>>)
    %get3A_62 = arith.constant 0 : index
    %get3A_63 = tpu.vector_load %arg4[%get3A_62] {strides = array<i32>} : memref<512xi32, #tpu.memory_space<vmem>>, vector<16xi32>,
    %add3A_64 = arith.constant 0 : i32
    %add3A_65 = vector.broadcast %add3A_64 : i32 to vector<16xi32>
    %add3A_66 = arith.addi %add3A_65, %iota3A : vector<16xi32>
    tpu.vector_store_idx %arg5[%add3A_66, %get3A_63], %broadcast_in_dim3A_3 : memref<32x1000xi32, #tpu.memory_space<vmem>>[vector<16xi32>, vector<16xi32>], vector<16xi32>,
    %get3A_67 = arith.constant 16 : index
    %get3A_68 = tpu.vector_load %arg4[%get3A_67] {strides = array<i32>} : memref<512xi32, #tpu.memory_space<vmem>>, vector<16xi32>,
    %add3A_69 = arith.constant 16 : i32
    %add3A_70 = vector.broadcast %add3A_69 : i32 to vector<16xi32>
    %add3A_71 = arith.addi %add3A_70, %iota3A : vector<16xi32>
    tpu.vector_store_idx %arg5[%add3A_71, %get3A_68], %broadcast_in_dim3A_3 : memref<32x1000xi32, #tpu.memory_space<vmem>>[vector<16xi32>, vector<16xi32>], vector<16xi32>,
    %get3A_72 = arith.constant 96 : index
    %get3A_73 = tpu.vector_load %arg4[%get3A_72] {strides = array<i32>} : memref<512xi32, #tpu.memory_space<vmem>>, vector<16xi32>,
    %add3A_74 = arith.constant 0 : i32
    %add3A_75 = vector.broadcast %add3A_74 : i32 to vector<16xi32>
    %add3A_76 = arith.addi %add3A_75, %iota3A : vector<16xi32>
    tpu.vector_store_idx %arg5[%add3A_76, %get3A_73], %broadcast_in_dim3A_5 : memref<32x1000xi32, #tpu.memory_space<vmem>>[vector<16xi32>, vector<16xi32>], vector<16xi32>,
    %get3A_77 = arith.constant 112 : index
    %get3A_78 = tpu.vector_load %arg4[%get3A_77] {strides = array<i32>} : memref<512xi32, #tpu.memory_space<vmem>>, vector<16xi32>,
    %add3A_79 = arith.constant 16 : i32
    %add3A_80 = vector.broadcast %add3A_79 : i32 to vector<16xi32>
    %add3A_81 = arith.addi %add3A_80, %iota3A : vector<16xi32>
    tpu.vector_store_idx %arg5[%add3A_81, %get3A_78], %broadcast_in_dim3A_5 : memref<32x1000xi32, #tpu.memory_space<vmem>>[vector<16xi32>, vector<16xi32>], vector<16xi32>,
    %add3A_82 = arith.constant 96 : i32
    %add3A_83 = arith.addi %mul3A_2, %add3A_82 : i32
    %dma_start3A_84 = arith.constant 0 : i32
    %dma_start3A_85 = tpu.memref_slice %arg3[%add3A_83, %dma_start3A_84] : memref<16384x1000xi32, #tpu.memory_space<hbm>> -> memref<32x1000xi32, #tpu.memory_space<hbm>>
    %dma_start3A_86 = arith.constant 0 : i32
    %dma_start3A_87 = tpu.memref_slice %arg3[%add3A_83, %dma_start3A_86] : memref<16384x1000xi32, #tpu.memory_space<hbm>> -> memref<32x1000xi32, #tpu.memory_space<hbm>>
    tpu.enqueue_dma source(%arg5 : memref<32x1000xi32, #tpu.memory_space<vmem>>) target(%dma_start3A_87 : memref<32x1000xi32, #tpu.memory_space<hbm>>) target_semaphore(%arg8 : memref<!tpu.dma_semaphore, #tpu.memory_space<semaphore_mem>>)
    %add3A_88 = arith.constant 32 : i32
    %add3A_89 = arith.addi %mul3A_2, %add3A_88 : i32
    %dma_wait3A_90 = arith.constant 0 : i32
    %dma_wait3A_91 = tpu.memref_slice %arg3[%add3A_89, %dma_wait3A_90] : memref<16384x1000xi32, #tpu.memory_space<hbm>> -> memref<32x1000xi32, #tpu.memory_space<hbm>>
    %dma_wait3A_92 = arith.constant 0 : i32
    %dma_wait3A_93 = tpu.memref_slice %arg3[%add3A_89, %dma_wait3A_92] : memref<16384x1000xi32, #tpu.memory_space<hbm>> -> memref<32x1000xi32, #tpu.memory_space<hbm>>
    tpu.wait_dma2 semaphore(%arg9 : memref<!tpu.dma_semaphore, #tpu.memory_space<semaphore_mem>>) src(%arg6 : memref<32x1000xi32, #tpu.memory_space<vmem>>) dst(%dma_wait3A_93 : memref<32x1000xi32, #tpu.memory_space<hbm>>)
    %get3A_94 = arith.constant 32 : index
    %get3A_95 = tpu.vector_load %arg4[%get3A_94] {strides = array<i32>} : memref<512xi32, #tpu.memory_space<vmem>>, vector<16xi32>,
    %add3A_96 = arith.constant 0 : i32
    %add3A_97 = vector.broadcast %add3A_96 : i32 to vector<16xi32>
    %add3A_98 = arith.addi %add3A_97, %iota3A : vector<16xi32>
    tpu.vector_store_idx %arg6[%add3A_98, %get3A_95], %broadcast_in_dim3A_3 : memref<32x1000xi32, #tpu.memory_space<vmem>>[vector<16xi32>, vector<16xi32>], vector<16xi32>,
    %get3A_99 = arith.constant 48 : index
    %get3A_100 = tpu.vector_load %arg4[%get3A_99] {strides = array<i32>} : memref<512xi32, #tpu.memory_space<vmem>>, vector<16xi32>,
    %add3A_101 = arith.constant 16 : i32
    %add3A_102 = vector.broadcast %add3A_101 : i32 to vector<16xi32>
    %add3A_103 = arith.addi %add3A_102, %iota3A : vector<16xi32>
    tpu.vector_store_idx %arg6[%add3A_103, %get3A_100], %broadcast_in_dim3A_3 : memref<32x1000xi32, #tpu.memory_space<vmem>>[vector<16xi32>, vector<16xi32>], vector<16xi32>,
    %get3A_104 = arith.constant 128 : index
    %get3A_105 = tpu.vector_load %arg4[%get3A_104] {strides = array<i32>} : memref<512xi32, #tpu.memory_space<vmem>>, vector<16xi32>,
    %add3A_106 = arith.constant 0 : i32
    %add3A_107 = vector.broadcast %add3A_106 : i32 to vector<16xi32>
    %add3A_108 = arith.addi %add3A_107, %iota3A : vector<16xi32>
    tpu.vector_store_idx %arg6[%add3A_108, %get3A_105], %broadcast_in_dim3A_5 : memref<32x1000xi32, #tpu.memory_space<vmem>>[vector<16xi32>, vector<16xi32>], vector<16xi32>,
    %get3A_109 = arith.constant 144 : index
    %get3A_110 = tpu.vector_load %arg4[%get3A_109] {strides = array<i32>} : memref<512xi32, #tpu.memory_space<vmem>>, vector<16xi32>,
    %add3A_111 = arith.constant 16 : i32
    %add3A_112 = vector.broadcast %add3A_111 : i32 to vector<16xi32>
    %add3A_113 = arith.addi %add3A_112, %iota3A : vector<16xi32>
    tpu.vector_store_idx %arg6[%add3A_113, %get3A_110], %broadcast_in_dim3A_5 : memref<32x1000xi32, #tpu.memory_space<vmem>>[vector<16xi32>, vector<16xi32>], vector<16xi32>,
    %add3A_114 = arith.constant 128 : i32
    %add3A_115 = arith.addi %mul3A_2, %add3A_114 : i32
    %dma_start3A_116 = arith.constant 0 : i32
    %dma_start3A_117 = tpu.memref_slice %arg3[%add3A_115, %dma_start3A_116] : memref<16384x1000xi32, #tpu.memory_space<hbm>> -> memref<32x1000xi32, #tpu.memory_space<hbm>>
    %dma_start3A_118 = arith.constant 0 : i32
    %dma_start3A_119 = tpu.memref_slice %arg3[%add3A_115, %dma_start3A_118] : memref<16384x1000xi32, #tpu.memory_space<hbm>> -> memref<32x1000xi32, #tpu.memory_space<hbm>>
    tpu.enqueue_dma source(%arg6 : memref<32x1000xi32, #tpu.memory_space<vmem>>) target(%dma_start3A_119 : memref<32x1000xi32, #tpu.memory_space<hbm>>) target_semaphore(%arg9 : memref<!tpu.dma_semaphore, #tpu.memory_space<semaphore_mem>>)
    %add3A_120 = arith.constant 64 : i32
    %add3A_121 = arith.addi %mul3A_2, %add3A_120 : i32
    %dma_wait3A_122 = arith.constant 0 : i32
    %dma_wait3A_123 = tpu.memref_slice %arg3[%add3A_121, %dma_wait3A_122] : memref<16384x1000xi32, #tpu.memory_space<hbm>> -> memref<32x1000xi32, #tpu.memory_space<hbm>>
    %dma_wait3A_124 = arith.constant 0 : i32
    %dma_wait3A_125 = tpu.memref_slice %arg3[%add3A_121, %dma_wait3A_124] : memref<16384x1000xi32, #tpu.memory_space<hbm>> -> memref<32x1000xi32, #tpu.memory_space<hbm>>
    tpu.wait_dma2 semaphore(%arg10 : memref<!tpu.dma_semaphore, #tpu.memory_space<semaphore_mem>>) src(%arg7 : memref<32x1000xi32, #tpu.memory_space<vmem>>) dst(%dma_wait3A_125 : memref<32x1000xi32, #tpu.memory_space<hbm>>)
    %get3A_126 = arith.constant 64 : index
    %get3A_127 = tpu.vector_load %arg4[%get3A_126] {strides = array<i32>} : memref<512xi32, #tpu.memory_space<vmem>>, vector<16xi32>,
    %add3A_128 = arith.constant 0 : i32
    %add3A_129 = vector.broadcast %add3A_128 : i32 to vector<16xi32>
    %add3A_130 = arith.addi %add3A_129, %iota3A : vector<16xi32>
    tpu.vector_store_idx %arg7[%add3A_130, %get3A_127], %broadcast_in_dim3A_3 : memref<32x1000xi32, #tpu.memory_space<vmem>>[vector<16xi32>, vector<16xi32>], vector<16xi32>,
    %get3A_131 = arith.constant 80 : index
    %get3A_132 = tpu.vector_load %arg4[%get3A_131] {strides = array<i32>} : memref<512xi32, #tpu.memory_space<vmem>>, vector<16xi32>,
    %add3A_133 = arith.constant 16 : i32
    %add3A_134 = vector.broadcast %add3A_133 : i32 to vector<16xi32>
    %add3A_135 = arith.addi %add3A_134, %iota3A : vector<16xi32>
    tpu.vector_store_idx %arg7[%add3A_135, %get3A_132], %broadcast_in_dim3A_3 : memref<32x1000xi32, #tpu.memory_space<vmem>>[vector<16xi32>, vector<16xi32>], vector<16xi32>,
    %get3A_136 = arith.constant 160 : index
    %get3A_137 = tpu.vector_load %arg4[%get3A_136] {strides = array<i32>} : memref<512xi32, #tpu.memory_space<vmem>>, vector<16xi32>,
    %add3A_138 = arith.constant 0 : i32
    %add3A_139 = vector.broadcast %add3A_138 : i32 to vector<16xi32>
    %add3A_140 = arith.addi %add3A_139, %iota3A : vector<16xi32>
    tpu.vector_store_idx %arg7[%add3A_140, %get3A_137], %broadcast_in_dim3A_5 : memref<32x1000xi32, #tpu.memory_space<vmem>>[vector<16xi32>, vector<16xi32>], vector<16xi32>,
    %get3A_141 = arith.constant 176 : index
    %get3A_142 = tpu.vector_load %arg4[%get3A_141] {strides = array<i32>} : memref<512xi32, #tpu.memory_space<vmem>>, vector<16xi32>,
    %add3A_143 = arith.constant 16 : i32
    %add3A_144 = vector.broadcast %add3A_143 : i32 to vector<16xi32>
    %add3A_145 = arith.addi %add3A_144, %iota3A : vector<16xi32>
    tpu.vector_store_idx %arg7[%add3A_145, %get3A_142], %broadcast_in_dim3A_5 : memref<32x1000xi32, #tpu.memory_space<vmem>>[vector<16xi32>, vector<16xi32>], vector<16xi32>,
    %add3A_146 = arith.constant 160 : i32
    %add3A_147 = arith.addi %mul3A_2, %add3A_146 : i32
    %dma_start3A_148 = arith.constant 0 : i32
    %dma_start3A_149 = tpu.memref_slice %arg3[%add3A_147, %dma_start3A_148] : memref<16384x1000xi32, #tpu.memory_space<hbm>> -> memref<32x1000xi32, #tpu.memory_space<hbm>>
    %dma_start3A_150 = arith.constant 0 : i32
    %dma_start3A_151 = tpu.memref_slice %arg3[%add3A_147, %dma_start3A_150] : memref<16384x1000xi32, #tpu.memory_space<hbm>> -> memref<32x1000xi32, #tpu.memory_space<hbm>>
    tpu.enqueue_dma source(%arg7 : memref<32x1000xi32, #tpu.memory_space<vmem>>) target(%dma_start3A_151 : memref<32x1000xi32, #tpu.memory_space<hbm>>) target_semaphore(%arg10 : memref<!tpu.dma_semaphore, #tpu.memory_space<semaphore_mem>>)
    %add3A_152 = arith.constant 96 : i32
    %add3A_153 = arith.addi %mul3A_2, %add3A_152 : i32
    %dma_wait3A_154 = arith.constant 0 : i32
    %dma_wait3A_155 = tpu.memref_slice %arg3[%add3A_153, %dma_wait3A_154] : memref<16384x1000xi32, #tpu.memory_space<hbm>> -> memref<32x1000xi32, #tpu.memory_space<hbm>>
    %dma_wait3A_156 = arith.constant 0 : i32
    %dma_wait3A_157 = tpu.memref_slice %arg3[%add3A_153, %dma_wait3A_156] : memref<16384x1000xi32, #tpu.memory_space<hbm>> -> memref<32x1000xi32, #tpu.memory_space<hbm>>
    tpu.wait_dma2 semaphore(%arg8 : memref<!tpu.dma_semaphore, #tpu.memory_space<semaphore_mem>>) src(%arg5 : memref<32x1000xi32, #tpu.memory_space<vmem>>) dst(%dma_wait3A_157 : memref<32x1000xi32, #tpu.memory_space<hbm>>)
    %get3A_158 = arith.constant 96 : index
    %get3A_159 = tpu.vector_load %arg4[%get3A_158] {strides = array<i32>} : memref<512xi32, #tpu.memory_space<vmem>>, vector<16xi32>,
    %add3A_160 = arith.constant 0 : i32
    %add3A_161 = vector.broadcast %add3A_160 : i32 to vector<16xi32>
    %add3A_162 = arith.addi %add3A_161, %iota3A : vector<16xi32>
    tpu.vector_store_idx %arg5[%add3A_162, %get3A_159], %broadcast_in_dim3A_3 : memref<32x1000xi32, #tpu.memory_space<vmem>>[vector<16xi32>, vector<16xi32>], vector<16xi32>,
    %get3A_163 = arith.constant 112 : index
    %get3A_164 = tpu.vector_load %arg4[%get3A_163] {strides = array<i32>} : memref<512xi32, #tpu.memory_space<vmem>>, vector<16xi32>,
    %add3A_165 = arith.constant 16 : i32
    %add3A_166 = vector.broadcast %add3A_165 : i32 to vector<16xi32>
    %add3A_167 = arith.addi %add3A_166, %iota3A : vector<16xi32>
    tpu.vector_store_idx %arg5[%add3A_167, %get3A_164], %broadcast_in_dim3A_3 : memref<32x1000xi32, #tpu.memory_space<vmem>>[vector<16xi32>, vector<16xi32>], vector<16xi32>,
    %get3A_168 = arith.constant 192 : index
    %get3A_169 = tpu.vector_load %arg4[%get3A_168] {strides = array<i32>} : memref<512xi32, #tpu.memory_space<vmem>>, vector<16xi32>,
    %add3A_170 = arith.constant 0 : i32
    %add3A_171 = vector.broadcast %add3A_170 : i32 to vector<16xi32>
    %add3A_172 = arith.addi %add3A_171, %iota3A : vector<16xi32>
    tpu.vector_store_idx %arg5[%add3A_172, %get3A_169], %broadcast_in_dim3A_5 : memref<32x1000xi32, #tpu.memory_space<vmem>>[vector<16xi32>, vector<16xi32>], vector<16xi32>,
    %get3A_173 = arith.constant 208 : index
    %get3A_174 = tpu.vector_load %arg4[%get3A_173] {strides = array<i32>} : memref<512xi32, #tpu.memory_space<vmem>>, vector<16xi32>,
    %add3A_175 = arith.constant 16 : i32
    %add3A_176 = vector.broadcast %add3A_175 : i32 to vector<16xi32>
    %add3A_177 = arith.addi %add3A_176, %iota3A : vector<16xi32>
    tpu.vector_store_idx %arg5[%add3A_177, %get3A_174], %broadcast_in_dim3A_5 : memref<32x1000xi32, #tpu.memory_space<vmem>>[vector<16xi32>, vector<16xi32>], vector<16xi32>,
    %add3A_178 = arith.constant 192 : i32
    %add3A_179 = arith.addi %mul3A_2, %add3A_178 : i32
    %dma_start3A_180 = arith.constant 0 : i32
    %dma_start3A_181 = tpu.memref_slice %arg3[%add3A_179, %dma_start3A_180] : memref<16384x1000xi32, #tpu.memory_space<hbm>> -> memref<32x1000xi32, #tpu.memory_space<hbm>>
    %dma_start3A_182 = arith.constant 0 : i32
    %dma_start3A_183 = tpu.memref_slice %arg3[%add3A_179, %dma_start3A_182] : memref<16384x1000xi32, #tpu.memory_space<hbm>> -> memref<32x1000xi32, #tpu.memory_space<hbm>>
    tpu.enqueue_dma source(%arg5 : memref<32x1000xi32, #tpu.memory_space<vmem>>) target(%dma_start3A_183 : memref<32x1000xi32, #tpu.memory_space<hbm>>) target_semaphore(%arg8 : memref<!tpu.dma_semaphore, #tpu.memory_space<semaphore_mem>>)
    %add3A_184 = arith.constant 128 : i32
    %add3A_185 = arith.addi %mul3A_2, %add3A_184 : i32
    %dma_wait3A_186 = arith.constant 0 : i32
    %dma_wait3A_187 = tpu.memref_slice %arg3[%add3A_185, %dma_wait3A_186] : memref<16384x1000xi32, #tpu.memory_space<hbm>> -> memref<32x1000xi32, #tpu.memory_space<hbm>>
    %dma_wait3A_188 = arith.constant 0 : i32
    %dma_wait3A_189 = tpu.memref_slice %arg3[%add3A_185, %dma_wait3A_188] : memref<16384x1000xi32, #tpu.memory_space<hbm>> -> memref<32x1000xi32, #tpu.memory_space<hbm>>
    tpu.wait_dma2 semaphore(%arg9 : memref<!tpu.dma_semaphore, #tpu.memory_space<semaphore_mem>>) src(%arg6 : memref<32x1000xi32, #tpu.memory_space<vmem>>) dst(%dma_wait3A_189 : memref<32x1000xi32, #tpu.memory_space<hbm>>)
    %get3A_190 = arith.constant 128 : index
    %get3A_191 = tpu.vector_load %arg4[%get3A_190] {strides = array<i32>} : memref<512xi32, #tpu.memory_space<vmem>>, vector<16xi32>,
    %add3A_192 = arith.constant 0 : i32
    %add3A_193 = vector.broadcast %add3A_192 : i32 to vector<16xi32>
    %add3A_194 = arith.addi %add3A_193, %iota3A : vector<16xi32>
    tpu.vector_store_idx %arg6[%add3A_194, %get3A_191], %broadcast_in_dim3A_3 : memref<32x1000xi32, #tpu.memory_space<vmem>>[vector<16xi32>, vector<16xi32>], vector<16xi32>,
    %get3A_195 = arith.constant 144 : index
    %get3A_196 = tpu.vector_load %arg4[%get3A_195] {strides = array<i32>} : memref<512xi32, #tpu.memory_space<vmem>>, vector<16xi32>,
    %add3A_197 = arith.constant 16 : i32
    %add3A_198 = vector.broadcast %add3A_197 : i32 to vector<16xi32>
    %add3A_199 = arith.addi %add3A_198, %iota3A : vector<16xi32>
    tpu.vector_store_idx %arg6[%add3A_199, %get3A_196], %broadcast_in_dim3A_3 : memref<32x1000xi32, #tpu.memory_space<vmem>>[vector<16xi32>, vector<16xi32>], vector<16xi32>,
    %get3A_200 = arith.constant 224 : index
    %get3A_201 = tpu.vector_load %arg4[%get3A_200] {strides = array<i32>} : memref<512xi32, #tpu.memory_space<vmem>>, vector<16xi32>,
    %add3A_202 = arith.constant 0 : i32
    %add3A_203 = vector.broadcast %add3A_202 : i32 to vector<16xi32>
    %add3A_204 = arith.addi %add3A_203, %iota3A : vector<16xi32>
    tpu.vector_store_idx %arg6[%add3A_204, %get3A_201], %broadcast_in_dim3A_5 : memref<32x1000xi32, #tpu.memory_space<vmem>>[vector<16xi32>, vector<16xi32>], vector<16xi32>,
    %get3A_205 = arith.constant 240 : index
    %get3A_206 = tpu.vector_load %arg4[%get3A_205] {strides = array<i32>} : memref<512xi32, #tpu.memory_space<vmem>>, vector<16xi32>,
    %add3A_207 = arith.constant 16 : i32
    %add3A_208 = vector.broadcast %add3A_207 : i32 to vector<16xi32>
    %add3A_209 = arith.addi %add3A_208, %iota3A : vector<16xi32>
    tpu.vector_store_idx %arg6[%add3A_209, %get3A_206], %broadcast_in_dim3A_5 : memref<32x1000xi32, #tpu.memory_space<vmem>>[vector<16xi32>, vector<16xi32>], vector<16xi32>,
    %add3A_210 = arith.constant 224 : i32
    %add3A_211 = arith.addi %mul3A_2, %add3A_210 : i32
    %dma_start3A_212 = arith.constant 0 : i32
    %dma_start3A_213 = tpu.memref_slice %arg3[%add3A_211, %dma_start3A_212] : memref<16384x1000xi32, #tpu.memory_space<hbm>> -> memref<32x1000xi32, #tpu.memory_space<hbm>>
    %dma_start3A_214 = arith.constant 0 : i32
    %dma_start3A_215 = tpu.memref_slice %arg3[%add3A_211, %dma_start3A_214] : memref<16384x1000xi32, #tpu.memory_space<hbm>> -> memref<32x1000xi32, #tpu.memory_space<hbm>>
    tpu.enqueue_dma source(%arg6 : memref<32x1000xi32, #tpu.memory_space<vmem>>) target(%dma_start3A_215 : memref<32x1000xi32, #tpu.memory_space<hbm>>) target_semaphore(%arg9 : memref<!tpu.dma_semaphore, #tpu.memory_space<semaphore_mem>>)
    %add3A_216 = arith.constant 160 : i32
    %add3A_217 = arith.addi %mul3A_2, %add3A_216 : i32
    %dma_wait3A_218 = arith.constant 0 : i32
    %dma_wait3A_219 = tpu.memref_slice %arg3[%add3A_217, %dma_wait3A_218] : memref<16384x1000xi32, #tpu.memory_space<hbm>> -> memref<32x1000xi32, #tpu.memory_space<hbm>>
    %dma_wait3A_220 = arith.constant 0 : i32
    %dma_wait3A_221 = tpu.memref_slice %arg3[%add3A_217, %dma_wait3A_220] : memref<16384x1000xi32, #tpu.memory_space<hbm>> -> memref<32x1000xi32, #tpu.memory_space<hbm>>
    tpu.wait_dma2 semaphore(%arg10 : memref<!tpu.dma_semaphore, #tpu.memory_space<semaphore_mem>>) src(%arg7 : memref<32x1000xi32, #tpu.memory_space<vmem>>) dst(%dma_wait3A_221 : memref<32x1000xi32, #tpu.memory_space<hbm>>)
    %get3A_222 = arith.constant 160 : index
    %get3A_223 = tpu.vector_load %arg4[%get3A_222] {strides = array<i32>} : memref<512xi32, #tpu.memory_space<vmem>>, vector<16xi32>,
    %add3A_224 = arith.constant 0 : i32
    %add3A_225 = vector.broadcast %add3A_224 : i32 to vector<16xi32>
    %add3A_226 = arith.addi %add3A_225, %iota3A : vector<16xi32>
    tpu.vector_store_idx %arg7[%add3A_226, %get3A_223], %broadcast_in_dim3A_3 : memref<32x1000xi32, #tpu.memory_space<vmem>>[vector<16xi32>, vector<16xi32>], vector<16xi32>,
    %get3A_227 = arith.constant 176 : index
    %get3A_228 = tpu.vector_load %arg4[%get3A_227] {strides = array<i32>} : memref<512xi32, #tpu.memory_space<vmem>>, vector<16xi32>,
    %add3A_229 = arith.constant 16 : i32
    %add3A_230 = vector.broadcast %add3A_229 : i32 to vector<16xi32>
    %add3A_231 = arith.addi %add3A_230, %iota3A : vector<16xi32>
    tpu.vector_store_idx %arg7[%add3A_231, %get3A_228], %broadcast_in_dim3A_3 : memref<32x1000xi32, #tpu.memory_space<vmem>>[vector<16xi32>, vector<16xi32>], vector<16xi32>,
    %get3A_232 = arith.constant 256 : index
    %get3A_233 = tpu.vector_load %arg4[%get3A_232] {strides = array<i32>} : memref<512xi32, #tpu.memory_space<vmem>>, vector<16xi32>,
    %add3A_234 = arith.constant 0 : i32
    %add3A_235 = vector.broadcast %add3A_234 : i32 to vector<16xi32>
    %add3A_236 = arith.addi %add3A_235, %iota3A : vector<16xi32>
    tpu.vector_store_idx %arg7[%add3A_236, %get3A_233], %broadcast_in_dim3A_5 : memref<32x1000xi32, #tpu.memory_space<vmem>>[vector<16xi32>, vector<16xi32>], vector<16xi32>,
    %get3A_237 = arith.constant 272 : index
    %get3A_238 = tpu.vector_load %arg4[%get3A_237] {strides = array<i32>} : memref<512xi32, #tpu.memory_space<vmem>>, vector<16xi32>,
    %add3A_239 = arith.constant 16 : i32
    %add3A_240 = vector.broadcast %add3A_239 : i32 to vector<16xi32>
    %add3A_241 = arith.addi %add3A_240, %iota3A : vector<16xi32>
    tpu.vector_store_idx %arg7[%add3A_241, %get3A_238], %broadcast_in_dim3A_5 : memref<32x1000xi32, #tpu.memory_space<vmem>>[vector<16xi32>, vector<16xi32>], vector<16xi32>,
    %add3A_242 = arith.constant 256 : i32
    %add3A_243 = arith.addi %mul3A_2, %add3A_242 : i32
    %dma_start3A_244 = arith.constant 0 : i32
    %dma_start3A_245 = tpu.memref_slice %arg3[%add3A_243, %dma_start3A_244] : memref<16384x1000xi32, #tpu.memory_space<hbm>> -> memref<32x1000xi32, #tpu.memory_space<hbm>>
    %dma_start3A_246 = arith.constant 0 : i32
    %dma_start3A_247 = tpu.memref_slice %arg3[%add3A_243, %dma_start3A_246] : memref<16384x1000xi32, #tpu.memory_space<hbm>> -> memref<32x1000xi32, #tpu.memory_space<hbm>>
    tpu.enqueue_dma source(%arg7 : memref<32x1000xi32, #tpu.memory_space<vmem>>) target(%dma_start3A_247 : memref<32x1000xi32, #tpu.memory_space<hbm>>) target_semaphore(%arg10 : memref<!tpu.dma_semaphore, #tpu.memory_space<semaphore_mem>>)
    %add3A_248 = arith.constant 192 : i32
    %add3A_249 = arith.addi %mul3A_2, %add3A_248 : i32
    %dma_wait3A_250 = arith.constant 0 : i32
    %dma_wait3A_251 = tpu.memref_slice %arg3[%add3A_249, %dma_wait3A_250] : memref<16384x1000xi32, #tpu.memory_space<hbm>> -> memref<32x1000xi32, #tpu.memory_space<hbm>>
    %dma_wait3A_252 = arith.constant 0 : i32
    %dma_wait3A_253 = tpu.memref_slice %arg3[%add3A_249, %dma_wait3A_252] : memref<16384x1000xi32, #tpu.memory_space<hbm>> -> memref<32x1000xi32, #tpu.memory_space<hbm>>
    tpu.wait_dma2 semaphore(%arg8 : memref<!tpu.dma_semaphore, #tpu.memory_space<semaphore_mem>>) src(%arg5 : memref<32x1000xi32, #tpu.memory_space<vmem>>) dst(%dma_wait3A_253 : memref<32x1000xi32, #tpu.memory_space<hbm>>)
    %get3A_254 = arith.constant 192 : index
    %get3A_255 = tpu.vector_load %arg4[%get3A_254] {strides = array<i32>} : memref<512xi32, #tpu.memory_space<vmem>>, vector<16xi32>,
    %add3A_256 = arith.constant 0 : i32
    %add3A_257 = vector.broadcast %add3A_256 : i32 to vector<16xi32>
    %add3A_258 = arith.addi %add3A_257, %iota3A : vector<16xi32>
    tpu.vector_store_idx %arg5[%add3A_258, %get3A_255], %broadcast_in_dim3A_3 : memref<32x1000xi32, #tpu.memory_space<vmem>>[vector<16xi32>, vector<16xi32>], vector<16xi32>,
    %get3A_259 = arith.constant 208 : index
    %get3A_260 = tpu.vector_load %arg4[%get3A_259] {strides = array<i32>} : memref<512xi32, #tpu.memory_space<vmem>>, vector<16xi32>,
    %add3A_261 = arith.constant 16 : i32
    %add3A_262 = vector.broadcast %add3A_261 : i32 to vector<16xi32>
    %add3A_263 = arith.addi %add3A_262, %iota3A : vector<16xi32>
    tpu.vector_store_idx %arg5[%add3A_263, %get3A_260], %broadcast_in_dim3A_3 : memref<32x1000xi32, #tpu.memory_space<vmem>>[vector<16xi32>, vector<16xi32>], vector<16xi32>,
    %get3A_264 = arith.constant 288 : index
    %get3A_265 = tpu.vector_load %arg4[%get3A_264] {strides = array<i32>} : memref<512xi32, #tpu.memory_space<vmem>>, vector<16xi32>,
    %add3A_266 = arith.constant 0 : i32
    %add3A_267 = vector.broadcast %add3A_266 : i32 to vector<16xi32>
    %add3A_268 = arith.addi %add3A_267, %iota3A : vector<16xi32>
    tpu.vector_store_idx %arg5[%add3A_268, %get3A_265], %broadcast_in_dim3A_5 : memref<32x1000xi32, #tpu.memory_space<vmem>>[vector<16xi32>, vector<16xi32>], vector<16xi32>,
    %get3A_269 = arith.constant 304 : index
    %get3A_270 = tpu.vector_load %arg4[%get3A_269] {strides = array<i32>} : memref<512xi32, #tpu.memory_space<vmem>>, vector<16xi32>,
    %add3A_271 = arith.constant 16 : i32
    %add3A_272 = vector.broadcast %add3A_271 : i32 to vector<16xi32>
    %add3A_273 = arith.addi %add3A_272, %iota3A : vector<16xi32>
    tpu.vector_store_idx %arg5[%add3A_273, %get3A_270], %broadcast_in_dim3A_5 : memref<32x1000xi32, #tpu.memory_space<vmem>>[vector<16xi32>, vector<16xi32>], vector<16xi32>,
    %add3A_274 = arith.constant 288 : i32
    %add3A_275 = arith.addi %mul3A_2, %add3A_274 : i32
    %dma_start3A_276 = arith.constant 0 : i32
    %dma_start3A_277 = tpu.memref_slice %arg3[%add3A_275, %dma_start3A_276] : memref<16384x1000xi32, #tpu.memory_space<hbm>> -> memref<32x1000xi32, #tpu.memory_space<hbm>>
    %dma_start3A_278 = arith.constant 0 : i32
    %dma_start3A_279 = tpu.memref_slice %arg3[%add3A_275, %dma_start3A_278] : memref<16384x1000xi32, #tpu.memory_space<hbm>> -> memref<32x1000xi32, #tpu.memory_space<hbm>>
    tpu.enqueue_dma source(%arg5 : memref<32x1000xi32, #tpu.memory_space<vmem>>) target(%dma_start3A_279 : memref<32x1000xi32, #tpu.memory_space<hbm>>) target_semaphore(%arg8 : memref<!tpu.dma_semaphore, #tpu.memory_space<semaphore_mem>>)
    %add3A_280 = arith.constant 224 : i32
    %add3A_281 = arith.addi %mul3A_2, %add3A_280 : i32
    %dma_wait3A_282 = arith.constant 0 : i32
    %dma_wait3A_283 = tpu.memref_slice %arg3[%add3A_281, %dma_wait3A_282] : memref<16384x1000xi32, #tpu.memory_space<hbm>> -> memref<32x1000xi32, #tpu.memory_space<hbm>>
    %dma_wait3A_284 = arith.constant 0 : i32
    %dma_wait3A_285 = tpu.memref_slice %arg3[%add3A_281, %dma_wait3A_284] : memref<16384x1000xi32, #tpu.memory_space<hbm>> -> memref<32x1000xi32, #tpu.memory_space<hbm>>
    tpu.wait_dma2 semaphore(%arg9 : memref<!tpu.dma_semaphore, #tpu.memory_space<semaphore_mem>>) src(%arg6 : memref<32x1000xi32, #tpu.memory_space<vmem>>) dst(%dma_wait3A_285 : memref<32x1000xi32, #tpu.memory_space<hbm>>)
    %get3A_286 = arith.constant 224 : index
    %get3A_287 = tpu.vector_load %arg4[%get3A_286] {strides = array<i32>} : memref<512xi32, #tpu.memory_space<vmem>>, vector<16xi32>,
    %add3A_288 = arith.constant 0 : i32
    %add3A_289 = vector.broadcast %add3A_288 : i32 to vector<16xi32>
    %add3A_290 = arith.addi %add3A_289, %iota3A : vector<16xi32>
    tpu.vector_store_idx %arg6[%add3A_290, %get3A_287], %broadcast_in_dim3A_3 : memref<32x1000xi32, #tpu.memory_space<vmem>>[vector<16xi32>, vector<16xi32>], vector<16xi32>,
    %get3A_291 = arith.constant 240 : index
    %get3A_292 = tpu.vector_load %arg4[%get3A_291] {strides = array<i32>} : memref<512xi32, #tpu.memory_space<vmem>>, vector<16xi32>,
    %add3A_293 = arith.constant 16 : i32
    %add3A_294 = vector.broadcast %add3A_293 : i32 to vector<16xi32>
    %add3A_295 = arith.addi %add3A_294, %iota3A : vector<16xi32>
    tpu.vector_store_idx %arg6[%add3A_295, %get3A_292], %broadcast_in_dim3A_3 : memref<32x1000xi32, #tpu.memory_space<vmem>>[vector<16xi32>, vector<16xi32>], vector<16xi32>,
    %get3A_296 = arith.constant 320 : index
    %get3A_297 = tpu.vector_load %arg4[%get3A_296] {strides = array<i32>} : memref<512xi32, #tpu.memory_space<vmem>>, vector<16xi32>,
    %add3A_298 = arith.constant 0 : i32
    %add3A_299 = vector.broadcast %add3A_298 : i32 to vector<16xi32>
    %add3A_300 = arith.addi %add3A_299, %iota3A : vector<16xi32>
    tpu.vector_store_idx %arg6[%add3A_300, %get3A_297], %broadcast_in_dim3A_5 : memref<32x1000xi32, #tpu.memory_space<vmem>>[vector<16xi32>, vector<16xi32>], vector<16xi32>,
    %get3A_301 = arith.constant 336 : index
    %get3A_302 = tpu.vector_load %arg4[%get3A_301] {strides = array<i32>} : memref<512xi32, #tpu.memory_space<vmem>>, vector<16xi32>,
    %add3A_303 = arith.constant 16 : i32
    %add3A_304 = vector.broadcast %add3A_303 : i32 to vector<16xi32>
    %add3A_305 = arith.addi %add3A_304, %iota3A : vector<16xi32>
    tpu.vector_store_idx %arg6[%add3A_305, %get3A_302], %broadcast_in_dim3A_5 : memref<32x1000xi32, #tpu.memory_space<vmem>>[vector<16xi32>, vector<16xi32>], vector<16xi32>,
    %add3A_306 = arith.constant 320 : i32
    %add3A_307 = arith.addi %mul3A_2, %add3A_306 : i32
    %dma_start3A_308 = arith.constant 0 : i32
    %dma_start3A_309 = tpu.memref_slice %arg3[%add3A_307, %dma_start3A_308] : memref<16384x1000xi32, #tpu.memory_space<hbm>> -> memref<32x1000xi32, #tpu.memory_space<hbm>>
    %dma_start3A_310 = arith.constant 0 : i32
    %dma_start3A_311 = tpu.memref_slice %arg3[%add3A_307, %dma_start3A_310] : memref<16384x1000xi32, #tpu.memory_space<hbm>> -> memref<32x1000xi32, #tpu.memory_space<hbm>>
    tpu.enqueue_dma source(%arg6 : memref<32x1000xi32, #tpu.memory_space<vmem>>) target(%dma_start3A_311 : memref<32x1000xi32, #tpu.memory_space<hbm>>) target_semaphore(%arg9 : memref<!tpu.dma_semaphore, #tpu.memory_space<semaphore_mem>>)
    %add3A_312 = arith.constant 256 : i32
    %add3A_313 = arith.addi %mul3A_2, %add3A_312 : i32
    %dma_wait3A_314 = arith.constant 0 : i32
    %dma_wait3A_315 = tpu.memref_slice %arg3[%add3A_313, %dma_wait3A_314] : memref<16384x1000xi32, #tpu.memory_space<hbm>> -> memref<32x1000xi32, #tpu.memory_space<hbm>>
    %dma_wait3A_316 = arith.constant 0 : i32
    %dma_wait3A_317 = tpu.memref_slice %arg3[%add3A_313, %dma_wait3A_316] : memref<16384x1000xi32, #tpu.memory_space<hbm>> -> memref<32x1000xi32, #tpu.memory_space<hbm>>
    tpu.wait_dma2 semaphore(%arg10 : memref<!tpu.dma_semaphore, #tpu.memory_space<semaphore_mem>>) src(%arg7 : memref<32x1000xi32, #tpu.memory_space<vmem>>) dst(%dma_wait3A_317 : memref<32x1000xi32, #tpu.memory_space<hbm>>)
    %get3A_318 = arith.constant 256 : index
    %get3A_319 = tpu.vector_load %arg4[%get3A_318] {strides = array<i32>} : memref<512xi32, #tpu.memory_space<vmem>>, vector<16xi32>,
    %add3A_320 = arith.constant 0 : i32
    %add3A_321 = vector.broadcast %add3A_320 : i32 to vector<16xi32>
    %add3A_322 = arith.addi %add3A_321, %iota3A : vector<16xi32>
    tpu.vector_store_idx %arg7[%add3A_322, %get3A_319], %broadcast_in_dim3A_3 : memref<32x1000xi32, #tpu.memory_space<vmem>>[vector<16xi32>, vector<16xi32>], vector<16xi32>,
    %get3A_323 = arith.constant 272 : index
    %get3A_324 = tpu.vector_load %arg4[%get3A_323] {strides = array<i32>} : memref<512xi32, #tpu.memory_space<vmem>>, vector<16xi32>,
    %add3A_325 = arith.constant 16 : i32
    %add3A_326 = vector.broadcast %add3A_325 : i32 to vector<16xi32>
    %add3A_327 = arith.addi %add3A_326, %iota3A : vector<16xi32>
    tpu.vector_store_idx %arg7[%add3A_327, %get3A_324], %broadcast_in_dim3A_3 : memref<32x1000xi32, #tpu.memory_space<vmem>>[vector<16xi32>, vector<16xi32>], vector<16xi32>,
    %get3A_328 = arith.constant 352 : index
    %get3A_329 = tpu.vector_load %arg4[%get3A_328] {strides = array<i32>} : memref<512xi32, #tpu.memory_space<vmem>>, vector<16xi32>,
    %add3A_330 = arith.constant 0 : i32
    %add3A_331 = vector.broadcast %add3A_330 : i32 to vector<16xi32>
    %add3A_332 = arith.addi %add3A_331, %iota3A : vector<16xi32>
    tpu.vector_store_idx %arg7[%add3A_332, %get3A_329], %broadcast_in_dim3A_5 : memref<32x1000xi32, #tpu.memory_space<vmem>>[vector<16xi32>, vector<16xi32>], vector<16xi32>,
    %get3A_333 = arith.constant 368 : index
    %get3A_334 = tpu.vector_load %arg4[%get3A_333] {strides = array<i32>} : memref<512xi32, #tpu.memory_space<vmem>>, vector<16xi32>,
    %add3A_335 = arith.constant 16 : i32
    %add3A_336 = vector.broadcast %add3A_335 : i32 to vector<16xi32>
    %add3A_337 = arith.addi %add3A_336, %iota3A : vector<16xi32>
    tpu.vector_store_idx %arg7[%add3A_337, %get3A_334], %broadcast_in_dim3A_5 : memref<32x1000xi32, #tpu.memory_space<vmem>>[vector<16xi32>, vector<16xi32>], vector<16xi32>,
    %add3A_338 = arith.constant 352 : i32
    %add3A_339 = arith.addi %mul3A_2, %add3A_338 : i32
    %dma_start3A_340 = arith.constant 0 : i32
    %dma_start3A_341 = tpu.memref_slice %arg3[%add3A_339, %dma_start3A_340] : memref<16384x1000xi32, #tpu.memory_space<hbm>> -> memref<32x1000xi32, #tpu.memory_space<hbm>>
    %dma_start3A_342 = arith.constant 0 : i32
    %dma_start3A_343 = tpu.memref_slice %arg3[%add3A_339, %dma_start3A_342] : memref<16384x1000xi32, #tpu.memory_space<hbm>> -> memref<32x1000xi32, #tpu.memory_space<hbm>>
    tpu.enqueue_dma source(%arg7 : memref<32x1000xi32, #tpu.memory_space<vmem>>) target(%dma_start3A_343 : memref<32x1000xi32, #tpu.memory_space<hbm>>) target_semaphore(%arg10 : memref<!tpu.dma_semaphore, #tpu.memory_space<semaphore_mem>>)
    %add3A_344 = arith.constant 288 : i32
    %add3A_345 = arith.addi %mul3A_2, %add3A_344 : i32
    %dma_wait3A_346 = arith.constant 0 : i32
    %dma_wait3A_347 = tpu.memref_slice %arg3[%add3A_345, %dma_wait3A_346] : memref<16384x1000xi32, #tpu.memory_space<hbm>> -> memref<32x1000xi32, #tpu.memory_space<hbm>>
    %dma_wait3A_348 = arith.constant 0 : i32
    %dma_wait3A_349 = tpu.memref_slice %arg3[%add3A_345, %dma_wait3A_348] : memref<16384x1000xi32, #tpu.memory_space<hbm>> -> memref<32x1000xi32, #tpu.memory_space<hbm>>
    tpu.wait_dma2 semaphore(%arg8 : memref<!tpu.dma_semaphore, #tpu.memory_space<semaphore_mem>>) src(%arg5 : memref<32x1000xi32, #tpu.memory_space<vmem>>) dst(%dma_wait3A_349 : memref<32x1000xi32, #tpu.memory_space<hbm>>)
    %get3A_350 = arith.constant 288 : index
    %get3A_351 = tpu.vector_load %arg4[%get3A_350] {strides = array<i32>} : memref<512xi32, #tpu.memory_space<vmem>>, vector<16xi32>,
    %add3A_352 = arith.constant 0 : i32
    %add3A_353 = vector.broadcast %add3A_352 : i32 to vector<16xi32>
    %add3A_354 = arith.addi %add3A_353, %iota3A : vector<16xi32>
    tpu.vector_store_idx %arg5[%add3A_354, %get3A_351], %broadcast_in_dim3A_3 : memref<32x1000xi32, #tpu.memory_space<vmem>>[vector<16xi32>, vector<16xi32>], vector<16xi32>,
    %get3A_355 = arith.constant 304 : index
    %get3A_356 = tpu.vector_load %arg4[%get3A_355] {strides = array<i32>} : memref<512xi32, #tpu.memory_space<vmem>>, vector<16xi32>,
    %add3A_357 = arith.constant 16 : i32
    %add3A_358 = vector.broadcast %add3A_357 : i32 to vector<16xi32>
    %add3A_359 = arith.addi %add3A_358, %iota3A : vector<16xi32>
    tpu.vector_store_idx %arg5[%add3A_359, %get3A_356], %broadcast_in_dim3A_3 : memref<32x1000xi32, #tpu.memory_space<vmem>>[vector<16xi32>, vector<16xi32>], vector<16xi32>,
    %get3A_360 = arith.constant 384 : index
    %get3A_361 = tpu.vector_load %arg4[%get3A_360] {strides = array<i32>} : memref<512xi32, #tpu.memory_space<vmem>>, vector<16xi32>,
    %add3A_362 = arith.constant 0 : i32
    %add3A_363 = vector.broadcast %add3A_362 : i32 to vector<16xi32>
    %add3A_364 = arith.addi %add3A_363, %iota3A : vector<16xi32>
    tpu.vector_store_idx %arg5[%add3A_364, %get3A_361], %broadcast_in_dim3A_5 : memref<32x1000xi32, #tpu.memory_space<vmem>>[vector<16xi32>, vector<16xi32>], vector<16xi32>,
    %get3A_365 = arith.constant 400 : index
    %get3A_366 = tpu.vector_load %arg4[%get3A_365] {strides = array<i32>} : memref<512xi32, #tpu.memory_space<vmem>>, vector<16xi32>,
    %add3A_367 = arith.constant 16 : i32
    %add3A_368 = vector.broadcast %add3A_367 : i32 to vector<16xi32>
    %add3A_369 = arith.addi %add3A_368, %iota3A : vector<16xi32>
    tpu.vector_store_idx %arg5[%add3A_369, %get3A_366], %broadcast_in_dim3A_5 : memref<32x1000xi32, #tpu.memory_space<vmem>>[vector<16xi32>, vector<16xi32>], vector<16xi32>,
    %add3A_370 = arith.constant 384 : i32
    %add3A_371 = arith.addi %mul3A_2, %add3A_370 : i32
    %dma_start3A_372 = arith.constant 0 : i32
    %dma_start3A_373 = tpu.memref_slice %arg3[%add3A_371, %dma_start3A_372] : memref<16384x1000xi32, #tpu.memory_space<hbm>> -> memref<32x1000xi32, #tpu.memory_space<hbm>>
    %dma_start3A_374 = arith.constant 0 : i32
    %dma_start3A_375 = tpu.memref_slice %arg3[%add3A_371, %dma_start3A_374] : memref<16384x1000xi32, #tpu.memory_space<hbm>> -> memref<32x1000xi32, #tpu.memory_space<hbm>>
    tpu.enqueue_dma source(%arg5 : memref<32x1000xi32, #tpu.memory_space<vmem>>) target(%dma_start3A_375 : memref<32x1000xi32, #tpu.memory_space<hbm>>) target_semaphore(%arg8 : memref<!tpu.dma_semaphore, #tpu.memory_space<semaphore_mem>>)
    %add3A_376 = arith.constant 320 : i32
    %add3A_377 = arith.addi %mul3A_2, %add3A_376 : i32
    %dma_wait3A_378 = arith.constant 0 : i32
    %dma_wait3A_379 = tpu.memref_slice %arg3[%add3A_377, %dma_wait3A_378] : memref<16384x1000xi32, #tpu.memory_space<hbm>> -> memref<32x1000xi32, #tpu.memory_space<hbm>>
    %dma_wait3A_380 = arith.constant 0 : i32
    %dma_wait3A_381 = tpu.memref_slice %arg3[%add3A_377, %dma_wait3A_380] : memref<16384x1000xi32, #tpu.memory_space<hbm>> -> memref<32x1000xi32, #tpu.memory_space<hbm>>
    tpu.wait_dma2 semaphore(%arg9 : memref<!tpu.dma_semaphore, #tpu.memory_space<semaphore_mem>>) src(%arg6 : memref<32x1000xi32, #tpu.memory_space<vmem>>) dst(%dma_wait3A_381 : memref<32x1000xi32, #tpu.memory_space<hbm>>)
    %get3A_382 = arith.constant 320 : index
    %get3A_383 = tpu.vector_load %arg4[%get3A_382] {strides = array<i32>} : memref<512xi32, #tpu.memory_space<vmem>>, vector<16xi32>,
    %add3A_384 = arith.constant 0 : i32
    %add3A_385 = vector.broadcast %add3A_384 : i32 to vector<16xi32>
    %add3A_386 = arith.addi %add3A_385, %iota3A : vector<16xi32>
    tpu.vector_store_idx %arg6[%add3A_386, %get3A_383], %broadcast_in_dim3A_3 : memref<32x1000xi32, #tpu.memory_space<vmem>>[vector<16xi32>, vector<16xi32>], vector<16xi32>,
    %get3A_387 = arith.constant 336 : index
    %get3A_388 = tpu.vector_load %arg4[%get3A_387] {strides = array<i32>} : memref<512xi32, #tpu.memory_space<vmem>>, vector<16xi32>,
    %add3A_389 = arith.constant 16 : i32
    %add3A_390 = vector.broadcast %add3A_389 : i32 to vector<16xi32>
    %add3A_391 = arith.addi %add3A_390, %iota3A : vector<16xi32>
    tpu.vector_store_idx %arg6[%add3A_391, %get3A_388], %broadcast_in_dim3A_3 : memref<32x1000xi32, #tpu.memory_space<vmem>>[vector<16xi32>, vector<16xi32>], vector<16xi32>,
    %get3A_392 = arith.constant 416 : index
    %get3A_393 = tpu.vector_load %arg4[%get3A_392] {strides = array<i32>} : memref<512xi32, #tpu.memory_space<vmem>>, vector<16xi32>,
    %add3A_394 = arith.constant 0 : i32
    %add3A_395 = vector.broadcast %add3A_394 : i32 to vector<16xi32>
    %add3A_396 = arith.addi %add3A_395, %iota3A : vector<16xi32>
    tpu.vector_store_idx %arg6[%add3A_396, %get3A_393], %broadcast_in_dim3A_5 : memref<32x1000xi32, #tpu.memory_space<vmem>>[vector<16xi32>, vector<16xi32>], vector<16xi32>,
    %get3A_397 = arith.constant 432 : index
    %get3A_398 = tpu.vector_load %arg4[%get3A_397] {strides = array<i32>} : memref<512xi32, #tpu.memory_space<vmem>>, vector<16xi32>,
    %add3A_399 = arith.constant 16 : i32
    %add3A_400 = vector.broadcast %add3A_399 : i32 to vector<16xi32>
    %add3A_401 = arith.addi %add3A_400, %iota3A : vector<16xi32>
    tpu.vector_store_idx %arg6[%add3A_401, %get3A_398], %broadcast_in_dim3A_5 : memref<32x1000xi32, #tpu.memory_space<vmem>>[vector<16xi32>, vector<16xi32>], vector<16xi32>,
    %add3A_402 = arith.constant 416 : i32
    %add3A_403 = arith.addi %mul3A_2, %add3A_402 : i32
    %dma_start3A_404 = arith.constant 0 : i32
    %dma_start3A_405 = tpu.memref_slice %arg3[%add3A_403, %dma_start3A_404] : memref<16384x1000xi32, #tpu.memory_space<hbm>> -> memref<32x1000xi32, #tpu.memory_space<hbm>>
    %dma_start3A_406 = arith.constant 0 : i32
    %dma_start3A_407 = tpu.memref_slice %arg3[%add3A_403, %dma_start3A_406] : memref<16384x1000xi32, #tpu.memory_space<hbm>> -> memref<32x1000xi32, #tpu.memory_space<hbm>>
    tpu.enqueue_dma source(%arg6 : memref<32x1000xi32, #tpu.memory_space<vmem>>) target(%dma_start3A_407 : memref<32x1000xi32, #tpu.memory_space<hbm>>) target_semaphore(%arg9 : memref<!tpu.dma_semaphore, #tpu.memory_space<semaphore_mem>>)
    %add3A_408 = arith.constant 352 : i32
    %add3A_409 = arith.addi %mul3A_2, %add3A_408 : i32
    %dma_wait3A_410 = arith.constant 0 : i32
    %dma_wait3A_411 = tpu.memref_slice %arg3[%add3A_409, %dma_wait3A_410] : memref<16384x1000xi32, #tpu.memory_space<hbm>> -> memref<32x1000xi32, #tpu.memory_space<hbm>>
    %dma_wait3A_412 = arith.constant 0 : i32
    %dma_wait3A_413 = tpu.memref_slice %arg3[%add3A_409, %dma_wait3A_412] : memref<16384x1000xi32, #tpu.memory_space<hbm>> -> memref<32x1000xi32, #tpu.memory_space<hbm>>
    tpu.wait_dma2 semaphore(%arg10 : memref<!tpu.dma_semaphore, #tpu.memory_space<semaphore_mem>>) src(%arg7 : memref<32x1000xi32, #tpu.memory_space<vmem>>) dst(%dma_wait3A_413 : memref<32x1000xi32, #tpu.memory_space<hbm>>)
    %get3A_414 = arith.constant 352 : index
    %get3A_415 = tpu.vector_load %arg4[%get3A_414] {strides = array<i32>} : memref<512xi32, #tpu.memory_space<vmem>>, vector<16xi32>,
    %add3A_416 = arith.constant 0 : i32
    %add3A_417 = vector.broadcast %add3A_416 : i32 to vector<16xi32>
    %add3A_418 = arith.addi %add3A_417, %iota3A : vector<16xi32>
    tpu.vector_store_idx %arg7[%add3A_418, %get3A_415], %broadcast_in_dim3A_3 : memref<32x1000xi32, #tpu.memory_space<vmem>>[vector<16xi32>, vector<16xi32>], vector<16xi32>,
    %get3A_419 = arith.constant 368 : index
    %get3A_420 = tpu.vector_load %arg4[%get3A_419] {strides = array<i32>} : memref<512xi32, #tpu.memory_space<vmem>>, vector<16xi32>,
    %add3A_421 = arith.constant 16 : i32
    %add3A_422 = vector.broadcast %add3A_421 : i32 to vector<16xi32>
    %add3A_423 = arith.addi %add3A_422, %iota3A : vector<16xi32>
    tpu.vector_store_idx %arg7[%add3A_423, %get3A_420], %broadcast_in_dim3A_3 : memref<32x1000xi32, #tpu.memory_space<vmem>>[vector<16xi32>, vector<16xi32>], vector<16xi32>,
    %get3A_424 = arith.constant 448 : index
    %get3A_425 = tpu.vector_load %arg4[%get3A_424] {strides = array<i32>} : memref<512xi32, #tpu.memory_space<vmem>>, vector<16xi32>,
    %add3A_426 = arith.constant 0 : i32
    %add3A_427 = vector.broadcast %add3A_426 : i32 to vector<16xi32>
    %add3A_428 = arith.addi %add3A_427, %iota3A : vector<16xi32>
    tpu.vector_store_idx %arg7[%add3A_428, %get3A_425], %broadcast_in_dim3A_5 : memref<32x1000xi32, #tpu.memory_space<vmem>>[vector<16xi32>, vector<16xi32>], vector<16xi32>,
    %get3A_429 = arith.constant 464 : index
    %get3A_430 = tpu.vector_load %arg4[%get3A_429] {strides = array<i32>} : memref<512xi32, #tpu.memory_space<vmem>>, vector<16xi32>,
    %add3A_431 = arith.constant 16 : i32
    %add3A_432 = vector.broadcast %add3A_431 : i32 to vector<16xi32>
    %add3A_433 = arith.addi %add3A_432, %iota3A : vector<16xi32>
    tpu.vector_store_idx %arg7[%add3A_433, %get3A_430], %broadcast_in_dim3A_5 : memref<32x1000xi32, #tpu.memory_space<vmem>>[vector<16xi32>, vector<16xi32>], vector<16xi32>,
    %add3A_434 = arith.constant 448 : i32
    %add3A_435 = arith.addi %mul3A_2, %add3A_434 : i32
    %dma_start3A_436 = arith.constant 0 : i32
    %dma_start3A_437 = tpu.memref_slice %arg3[%add3A_435, %dma_start3A_436] : memref<16384x1000xi32, #tpu.memory_space<hbm>> -> memref<32x1000xi32, #tpu.memory_space<hbm>>
    %dma_start3A_438 = arith.constant 0 : i32
    %dma_start3A_439 = tpu.memref_slice %arg3[%add3A_435, %dma_start3A_438] : memref<16384x1000xi32, #tpu.memory_space<hbm>> -> memref<32x1000xi32, #tpu.memory_space<hbm>>
    tpu.enqueue_dma source(%arg7 : memref<32x1000xi32, #tpu.memory_space<vmem>>) target(%dma_start3A_439 : memref<32x1000xi32, #tpu.memory_space<hbm>>) target_semaphore(%arg10 : memref<!tpu.dma_semaphore, #tpu.memory_space<semaphore_mem>>)
    %add3A_440 = arith.constant 384 : i32
    %add3A_441 = arith.addi %mul3A_2, %add3A_440 : i32
    %dma_wait3A_442 = arith.constant 0 : i32
    %dma_wait3A_443 = tpu.memref_slice %arg3[%add3A_441, %dma_wait3A_442] : memref<16384x1000xi32, #tpu.memory_space<hbm>> -> memref<32x1000xi32, #tpu.memory_space<hbm>>
    %dma_wait3A_444 = arith.constant 0 : i32
    %dma_wait3A_445 = tpu.memref_slice %arg3[%add3A_441, %dma_wait3A_444] : memref<16384x1000xi32, #tpu.memory_space<hbm>> -> memref<32x1000xi32, #tpu.memory_space<hbm>>
    tpu.wait_dma2 semaphore(%arg8 : memref<!tpu.dma_semaphore, #tpu.memory_space<semaphore_mem>>) src(%arg5 : memref<32x1000xi32, #tpu.memory_space<vmem>>) dst(%dma_wait3A_445 : memref<32x1000xi32, #tpu.memory_space<hbm>>)
    %get3A_446 = arith.constant 384 : index
    %get3A_447 = tpu.vector_load %arg4[%get3A_446] {strides = array<i32>} : memref<512xi32, #tpu.memory_space<vmem>>, vector<16xi32>,
    %add3A_448 = arith.constant 0 : i32
    %add3A_449 = vector.broadcast %add3A_448 : i32 to vector<16xi32>
    %add3A_450 = arith.addi %add3A_449, %iota3A : vector<16xi32>
    tpu.vector_store_idx %arg5[%add3A_450, %get3A_447], %broadcast_in_dim3A_3 : memref<32x1000xi32, #tpu.memory_space<vmem>>[vector<16xi32>, vector<16xi32>], vector<16xi32>,
    %get3A_451 = arith.constant 400 : index
    %get3A_452 = tpu.vector_load %arg4[%get3A_451] {strides = array<i32>} : memref<512xi32, #tpu.memory_space<vmem>>, vector<16xi32>,
    %add3A_453 = arith.constant 16 : i32
    %add3A_454 = vector.broadcast %add3A_453 : i32 to vector<16xi32>
    %add3A_455 = arith.addi %add3A_454, %iota3A : vector<16xi32>
    tpu.vector_store_idx %arg5[%add3A_455, %get3A_452], %broadcast_in_dim3A_3 : memref<32x1000xi32, #tpu.memory_space<vmem>>[vector<16xi32>, vector<16xi32>], vector<16xi32>,
    %get3A_456 = arith.constant 480 : index
    %get3A_457 = tpu.vector_load %arg4[%get3A_456] {strides = array<i32>} : memref<512xi32, #tpu.memory_space<vmem>>, vector<16xi32>,
    %add3A_458 = arith.constant 0 : i32
    %add3A_459 = vector.broadcast %add3A_458 : i32 to vector<16xi32>
    %add3A_460 = arith.addi %add3A_459, %iota3A : vector<16xi32>
    tpu.vector_store_idx %arg5[%add3A_460, %get3A_457], %broadcast_in_dim3A_5 : memref<32x1000xi32, #tpu.memory_space<vmem>>[vector<16xi32>, vector<16xi32>], vector<16xi32>,
    %get3A_461 = arith.constant 496 : index
    %get3A_462 = tpu.vector_load %arg4[%get3A_461] {strides = array<i32>} : memref<512xi32, #tpu.memory_space<vmem>>, vector<16xi32>,
    %add3A_463 = arith.constant 16 : i32
    %add3A_464 = vector.broadcast %add3A_463 : i32 to vector<16xi32>
    %add3A_465 = arith.addi %add3A_464, %iota3A : vector<16xi32>
    tpu.vector_store_idx %arg5[%add3A_465, %get3A_462], %broadcast_in_dim3A_5 : memref<32x1000xi32, #tpu.memory_space<vmem>>[vector<16xi32>, vector<16xi32>], vector<16xi32>,
    %add3A_466 = arith.constant 480 : i32
    %add3A_467 = arith.addi %mul3A_2, %add3A_466 : i32
    %dma_start3A_468 = arith.constant 0 : i32
    %dma_start3A_469 = tpu.memref_slice %arg3[%add3A_467, %dma_start3A_468] : memref<16384x1000xi32, #tpu.memory_space<hbm>> -> memref<32x1000xi32, #tpu.memory_space<hbm>>
    %dma_start3A_470 = arith.constant 0 : i32
    %dma_start3A_471 = tpu.memref_slice %arg3[%add3A_467, %dma_start3A_470] : memref<16384x1000xi32, #tpu.memory_space<hbm>> -> memref<32x1000xi32, #tpu.memory_space<hbm>>
    tpu.enqueue_dma source(%arg5 : memref<32x1000xi32, #tpu.memory_space<vmem>>) target(%dma_start3A_471 : memref<32x1000xi32, #tpu.memory_space<hbm>>) target_semaphore(%arg8 : memref<!tpu.dma_semaphore, #tpu.memory_space<semaphore_mem>>)
    %add3A_472 = arith.constant 416 : i32
    %add3A_473 = arith.addi %mul3A_2, %add3A_472 : i32
    %dma_wait3A_474 = arith.constant 0 : i32
    %dma_wait3A_475 = tpu.memref_slice %arg3[%add3A_473, %dma_wait3A_474] : memref<16384x1000xi32, #tpu.memory_space<hbm>> -> memref<32x1000xi32, #tpu.memory_space<hbm>>
    %dma_wait3A_476 = arith.constant 0 : i32
    %dma_wait3A_477 = tpu.memref_slice %arg3[%add3A_473, %dma_wait3A_476] : memref<16384x1000xi32, #tpu.memory_space<hbm>> -> memref<32x1000xi32, #tpu.memory_space<hbm>>
    tpu.wait_dma2 semaphore(%arg9 : memref<!tpu.dma_semaphore, #tpu.memory_space<semaphore_mem>>) src(%arg6 : memref<32x1000xi32, #tpu.memory_space<vmem>>) dst(%dma_wait3A_477 : memref<32x1000xi32, #tpu.memory_space<hbm>>)
    %add3A_478 = arith.constant 448 : i32
    %add3A_479 = arith.addi %mul3A_2, %add3A_478 : i32
    %dma_wait3A_480 = arith.constant 0 : i32
    %dma_wait3A_481 = tpu.memref_slice %arg3[%add3A_479, %dma_wait3A_480] : memref<16384x1000xi32, #tpu.memory_space<hbm>> -> memref<32x1000xi32, #tpu.memory_space<hbm>>
    %dma_wait3A_482 = arith.constant 0 : i32
    %dma_wait3A_483 = tpu.memref_slice %arg3[%add3A_479, %dma_wait3A_482] : memref<16384x1000xi32, #tpu.memory_space<hbm>> -> memref<32x1000xi32, #tpu.memory_space<hbm>>
    tpu.wait_dma2 semaphore(%arg10 : memref<!tpu.dma_semaphore, #tpu.memory_space<semaphore_mem>>) src(%arg7 : memref<32x1000xi32, #tpu.memory_space<vmem>>) dst(%dma_wait3A_483 : memref<32x1000xi32, #tpu.memory_space<hbm>>)
    %add3A_484 = arith.constant 480 : i32
    %add3A_485 = arith.addi %mul3A_2, %add3A_484 : i32
    %dma_wait3A_486 = arith.constant 0 : i32
    %dma_wait3A_487 = tpu.memref_slice %arg3[%add3A_485, %dma_wait3A_486] : memref<16384x1000xi32, #tpu.memory_space<hbm>> -> memref<32x1000xi32, #tpu.memory_space<hbm>>
    %dma_wait3A_488 = arith.constant 0 : i32
    %dma_wait3A_489 = tpu.memref_slice %arg3[%add3A_485, %dma_wait3A_488] : memref<16384x1000xi32, #tpu.memory_space<hbm>> -> memref<32x1000xi32, #tpu.memory_space<hbm>>
    tpu.wait_dma2 semaphore(%arg8 : memref<!tpu.dma_semaphore, #tpu.memory_space<semaphore_mem>>) src(%arg5 : memref<32x1000xi32, #tpu.memory_space<vmem>>) dst(%dma_wait3A_489 : memref<32x1000xi32, #tpu.memory_space<hbm>>)
    return
  }
}

</mosaic_0001>

<sc_bundles>
// kernel: kernel.3.cloned.1.call-start
scs
__scs_entry_jumppad:
0x0: {  	(pc) =	sbr.rel $0x88, $3  }
0x1: {  	(tag) =	ssettag $0x0;
	lr =	simm.s32 $0x1  }
0x2: {  	[smem:$0x3FA0] =	sst lr;
	_ =	strace $0xD0000000  }
0x3: {  	_ = 	snop  }
0x4: {  	_ = 	snop  }
0x5: {  	_ = 	snop  }
0x6: {  	_ = 	snop  }
0x7: {  	_ = 	snop  }
__scs_overlays_trampoline_lowered:
0x8: {  	[smem:$0x3FAF] =	sst s0  }
0x9: {  	[smem:$0x3FB0] =	sst s1  }
0xa: {  	[smem:$0x3FB1] =	sst s2  }
0xb: {  	[smem:$0x3FB2] =	sst s3  }
0xc: {  	[smem:$0x3FB3] =	sst s4  }
0xd: {  	[smem:$0x3FB4] =	sst s5  }
0xe: {  	[smem:$0x3FB5] =	sst s6  }
0xf: {  	[smem:$0x3FB6] =	sst s7  }
0x10: {  	[smem:$0x3FB7] =	sst s8  }
0x11: {  	[smem:$0x3FB8] =	sst s9;
	s0 =	simm.s32 @!p0 $0x0  }
0x12: {  	s1 =	sld [smem:$0x3F9E];
	s0 =	simm.s32 @p0 $0x1  }
0x13: {  	[smem:$0x3FB9] =	sst s0;
	s0 =	simm.s32 @!p1 $0x0  }
0x14: {  	s2 =	sld [smem:$0x3F9D];
	s0 =	simm.s32 @p1 $0x1  }
0x15: {  	[smem:$0x3FBA] =	sst s0;
	s0 =	simm.s32 @!p2 $0x0  }
0x16: {  	s3 =	sld [smem:$0x3FDB];
	s0 =	simm.s32 @p2 $0x1  }
0x17: {  	s4 =	simm.s32 $0x1BF5;
	[smem:$0x3FBC] =	sst s0  }
0x18: {  	s0 =	sld [smem:$0x3F9F];
	_ =	swait.ge [sflag:s4], $0x0  }
0x19: {  	s7 =	sld [smem:$0x3FA0]  }
0x1a: {  	s8 =	sadd.s32 $0xFFFFE003, lr  }
0x1b: {  	s9 =	sadd.s32 $0xFFFFFEF7, lr;
	s5 =	simm.s32 $0xFFFFFFFF;
	p2 =	slt.u32 s8, $0xFFFFF086  }
0x1c: {  	p1 =	slt.u32 s9, $0xF7A;
	s5 =	simm.s32 @!p2 $0x0  }
0x1d: {  	s5 =	simm.s32 @p1 $0x1;
	p0 =	seq.s32 s7, s2  }
0x1e: {  	s7 =	smul.u32 @!p0 $0xF7A, s2;
	p2 =	seq.s32 @!p0 s5, $0x0  }
0x1f: {  	s9 =	smul.u32 $0xF7A, s1;
	s8 =	simm.s32 @!p0 $0x1BF5;
	p2 =	por !p2, p0  }
0x20: {  	[sflag:s8] =	ssyncset.s32 @!p0 $0xFFFFF086;
	s6 =	sadd.s32 @!p0 s3, s7;
	s7 =	simm.s32 @!p0 $0x108  }
0x21: {  	s3 =	sadd.s32 s3, s9;
	s6 =	sadd.s32 @!p0 $0x88, s6;
	s7 =	simm.s32 @p2 $0x1082  }
0x22: {  	[simem:s7], [sflag:s8] =	dma.local @!p0 [hbm:s6], $0xF7A  }
0x23: {  	s9 =	sor.u32 $0xD0000000, s2;
	s6 =	simm.s32 $0x108;
	_ =	swait.ge @!p0 [sflag:s8], $0x0  }
0x24: {  	s3 =	sadd.s32 $0x88, s3;
	s6 =	simm.s32 @!p1 $0x1082;
	[sflag:s4] =	ssyncset.s32 $0xFFFFF086  }
0x25: {  	[simem:s6], [sflag:s4] =	dma.local [hbm:s3], $0xF7A  }
0x26: {  	[smem:$0x3FA0] =	sst s1;
	(tag) =	ssettag s2;
	_ =	strace s9  }
0x27: {  	s1 =	sld [smem:$0x3FB0]  }
0x28: {  	s2 =	sld [smem:$0x3FB1]  }
0x29: {  	s4 =	sld [smem:$0x3FB3]  }
0x2a: {  	p0 =	seq.s32 s5, $0x0;
	s5 =	sld [smem:$0x3FB4]  }
0x2b: {  	s6 =	sld [smem:$0x3FB5]  }
0x2c: {  	s7 =	sld [smem:$0x3FB6]  }
0x2d: {  	s3 =	simm.s32 $0x108;
	s8 =	sld [smem:$0x3FB7]  }
0x2e: {  	s3 =	simm.s32 @!p0 $0x1082;
	s9 =	sld [smem:$0x3FB8]  }
0x2f: {  	lr =	sadd.s32 s0, s3;
	s0 =	sld [smem:$0x3FAF]  }
0x30: {  	s3 =	sld [smem:$0x3FB2]  }
0x31: {  	[smem:$0x3FBB] =	sst s10  }
0x32: {  	s10 =	sld [smem:$0x3FB9];
	_ =	sdelay $0x3  }
0x33: {  	p0 =	seq.s32 s10, $0x1;
	s10 =	sld [smem:$0x3FBB];
	_ =	sdelay $0x3  }
0x34: {  	[smem:$0x3FBB] =	sst s10  }
0x35: {  	s10 =	sld [smem:$0x3FBA];
	_ =	sdelay $0x3  }
0x36: {  	p1 =	seq.s32 s10, $0x1;
	s10 =	sld [smem:$0x3FBB];
	_ =	sdelay $0x3  }
0x37: {  	[smem:$0x3FBB] =	sst s10  }
0x38: {  	s10 =	sld [smem:$0x3FBC]  }
0x39: {  	_ = 	snop;
	(pc) =	sbr.ind lr, $3  }
0x3a: {  	_ = 	snop  }
0x3b: {  	_ = 	snop  }
0x3c: {  	p2 =	seq.s32 s10, $0x1;
	s10 =	sld [smem:$0x3FBB]  }
0x3d: {  	_ =	shalt  }
0x3e: {  	_ =	shalt  }
0x3f: {  	_ =	shalt  }
0x40: {  	_ =	shalt  }
0x41: {  	_ =	shalt  }
0x42: {  	_ =	shalt  }
0x43: {  	_ =	shalt  }
0x44: {  	_ =	shalt  }
0x45: {  	_ =	shalt  }
0x46: {  	_ =	shalt  }
0x47: {  	_ =	shalt  }
0x48: {  	_ =	shalt  }
0x49: {  	_ =	shalt  }
0x4a: {  	_ =	shalt  }
0x4b: {  	_ =	shalt  }
0x4c: {  	_ =	shalt  }
0x4d: {  	_ =	shalt  }
0x4e: {  	_ =	shalt  }
0x4f: {  	_ =	shalt  }
0x50: {  	_ =	shalt  }
0x51: {  	_ =	shalt  }
0x52: {  	_ =	shalt  }
0x53: {  	_ =	shalt  }
0x54: {  	_ =	shalt  }
0x55: {  	_ =	shalt  }
0x56: {  	_ =	shalt  }
0x57: {  	_ =	shalt  }
0x58: {  	_ =	shalt  }
0x59: {  	_ =	shalt  }
0x5a: {  	_ =	shalt  }
0x5b: {  	_ =	shalt  }
0x5c: {  	_ =	shalt  }
0x5d: {  	_ =	shalt  }
0x5e: {  	_ =	shalt  }
0x5f: {  	_ =	shalt  }
0x60: {  	_ =	shalt  }
0x61: {  	_ =	shalt  }
0x62: {  	_ =	shalt  }
0x63: {  	_ =	shalt  }
0x64: {  	_ =	shalt  }
0x65: {  	_ =	shalt  }
0x66: {  	_ =	shalt  }
0x67: {  	_ =	shalt  }
0x68: {  	_ =	shalt  }
0x69: {  	_ =	shalt  }
0x6a: {  	_ =	shalt  }
0x6b: {  	_ =	shalt  }
0x6c: {  	_ =	shalt  }
0x6d: {  	_ =	shalt  }
0x6e: {  	_ =	shalt  }
0x6f: {  	_ =	shalt  }
0x70: {  	_ =	shalt  }
0x71: {  	_ =	shalt  }
0x72: {  	_ =	shalt  }
0x73: {  	_ =	shalt  }
0x74: {  	_ =	shalt  }
0x75: {  	_ =	shalt  }
0x76: {  	_ =	shalt  }
0x77: {  	_ =	shalt  }
0x78: {  	_ =	shalt  }
0x79: {  	_ =	shalt  }
0x7a: {  	_ =	shalt  }
0x7b: {  	_ =	shalt  }
0x7c: {  	_ =	shalt  }
0x7d: {  	_ =	shalt  }
0x7e: {  	_ =	shalt  }
0x7f: {  	_ =	shalt  }
0x80: {  	_ =	shalt  }
0x81: {  	_ =	shalt  }
0x82: {  	_ =	shalt  }
0x83: {  	_ =	shalt  }
0x84: {  	_ =	shalt  }
0x85: {  	_ =	shalt  }
0x86: {  	_ =	shalt  }
0x87: {  	_ =	shalt  }
.Lfunc_end0:
.L_simem_size_0:
called_computation_lowered:
.L_overlay_start_0:
0x88: {  	s2 =	sld [smem:$0x3FD9]  }
0x89: {  	s3 =	sld [smem:$0x3FFE];
	_ =	sdelay $0x1  }
0x8a: {  	s1 =	srdreg.scid  }
0x8b: {  	s0 =	sand.u32 $0x1, s1  }
0x8c: {  	s17 =	sshll.u32 s0, $0xA;
	s2 =	sadd.s32 s3, s2  }
0x8d: {  	s2 =	sadd.s32 s2, s17  }
0x8e: {  	[smem:$0x3FC7] =	sst s2  }
0x8f: {  	_ = 	snop  }
0x90: {  	s2 =	sld [smem:$0x3FC9];
	(tm) =	ssettm $0x1  }
0x91: {  	s18 =	sld [smem:$0x3FFB];
	_ =	sdelay $0x3  }
0x92: {  	_ =	strace s18  }
0x93: {  	s3 =	sld [smem:$0x3FFC];
	_ =	sdelay $0x3  }
0x94: {  	_ =	strace s3  }
0x95: {  	s3 =	sld [smem:$0x3FFD];
	_ =	sdelay $0x3  }
0x96: {  	_ =	strace s3  }
0x97: {  	_ =	strace $0x8FFFFFFF  }
0x98: {  	s19 =	sld [smem:$0x3FDB];
	_ =	sdelay $0x1  }
0x99: {  	s4 =	simm.s32 $_scs_section_size  }
0x9a: {  	s5 =	simm.s32 $_size__tile_overlayer_lowered;
	s6 =	simm.s32 $_tile_overlayer_lowered  }
0x9b: {  	s22 =	simm.s32 $0x1BFF;
	s21 =	sshll.u32 s6, $0x1;
	s3 =	sadd.s32 s4, s19  }
0x9c: {  	s7 =	simm.s32 $0x0;
	s20 =	sshll.u32 s5, $0x1;
	s5 =	sadd.s32 s21, s3  }
0x9d: {  	[timem:s7], [sflag:s22] =	dma.local [hbm:s5], s20  }
0x9e: {  	_ =	swait.ge [sflag:s22], s20  }
0x9f: {  	s4 =	ssub.s32 $0x0, s20;
	[sflag:s22] =	ssyncset.done $0x0  }
0xa0: {  	[sflag:s22] =	ssyncadd.s32 s4;
	_ =	sdelay $0x1  }
0xa1: {  	s23 =	simm.s32 $0x1B8B  }
0xa2: {  	_ =	swait.ge [sflag:s23], $0x1  }
0xa3: {  	[sflag:s23] =	ssyncset.done $0x0  }
0xa4: {  	s25 =	simm.s32 $0x1B8E;
	s24 =	sld [smem:$0x3FFE];
	[sflag:s23] =	ssyncadd.s32 $0xFFFFFFFF  }
0xa5: {  	s26 =	simm.s32 $execute0_lowered;
	[smem:$0x3FD2] =	sst s25  }
0xa6: {  	s5 =	sshll.u32 s26, $0x1;
	_ =	strace $0x80000046;
	[dreg:$0x1] =	wrdreg $0xFFFFFFFF  }
0xa7: {  	s28 =	simm.s32 $_size_execute0_lowered;
	s3 =	sadd.s32 s3, s5;
	[dreg:$0x0] =	wrdreg $0x0  }
0xa8: {  	s5 =	sshll.u32 s28, $0x1;
	[dreg:$0x2] =	wrdreg s3  }
0xa9: {  	[dreg:$0x3] =	wrdreg s5  }
0xaa: {  	[dreg:$0x4] =	wrdreg $0xC0  }
0xab: {  	_ =	task [dreg:s7], $0x5FFFF  }
0xac: {  	[dreg:$0x1] =	wrdreg $0xFFFFFFFF  }
0xad: {  	[dreg:$0x0] =	wrdreg $0x60  }
0xae: {  	[dreg:$0x2] =	wrdreg s2  }
0xaf: {  	[dreg:$0x3] =	wrdreg s24  }
0xb0: {  	[dreg:$0x4] =	wrdreg $0x9  }
0xb1: {  	_ =	task.clear_ibuf [dreg:s7], $0x5FFFF;
	_ =	strace $0x90000046  }
0xb2: {  	s29 =	simm.s32 $0x9;
	_ =	strace $0x80000048  }
0xb3: {  	_ =	swait.ge [sflag:s29], $0x1  }
0xb4: {  	[sflag:s29] =	ssyncadd.s32 $0xFFFFFFFF  }
0xb5: {  	_ =	strace $0x90000048  }
0xb6: {  	_ =	sfence  }
0xb7: {  	s30 =	sld [smem:$0x0];
	_ =	sdelay $0x2  }
0xb8: {  	s31 =	sshll.u32 s1, $0xD;
	s1 =	sshrl.u32 s1, $0x2  }
0xb9: {  	s3 =	sand.u32 $0x4000, s31;
	s1 =	sadd.s32 s1, s30  }
0xba: {  	s0 =	sor.u32 s3, s0;
	s1 =	sshll.u32 s1, $0x11  }
0xbb: {  	s0 =	sor.u32 s1, s0  }
0xbc: {  	s0 =	sadd.s32 $0x8F2B, s0  }
0xbd: {  	[sflag:s0] =	ssyncadd.remote.s32 $0x1  }
0xbe: {  	_ =	sfence.sel $0xFFFF  }
0xbf: {  	[dreg:$0x0] =	wrdreg $0xFFFFFFFF;
	(pc) =	sbr.abs _section_cstart, $3  }
0xc0: {  	[dreg:$0x1] =	wrdreg $0xFFFFFFFF  }
0xc1: {  	_ =	task.clear_ibuf [dreg:s7], $0x2FFFF;
	_ =	strace $0x9FFFFFFF  }
0xc2: {  	(tm) =	ssettm $0x7FFFFFFF  }
0xc3: {  	_ =	shalt  }
tec
execute0_lowered:
.L_overlay_start_1:
0x0: {  	(tag) =	ssettag $0x1  }
0x1: {  	s0 =	rddreg [dreg:$0x0]  }
0x2: {  	v0 =	vimm.s32 $0x0;
	s1 =	rddreg [dreg:$0x1];
	s2 =	srdreg.scid  }
0x3: {  	v1 =	vimm.s32 $0x2380;
	vm0 =	vcmask $0x300;
	v2 =	vimm.s32 $0x6380;
	s4 =	stileid.u32;
	s28 =	simm.s32 $0x3;
	s29 =	simm.s32 $0x0  }
0x4: {  	vm1 =	vcmask $0x704;
	v1 =	vsel vm0, $0x0, v1;
	v2 =	vsel vm0, $0x4000, v2;
	s3 =	sand.u32 $0x1, s2;
	s2 =	simm.s32 $0x0;
	s4 =	sshll.u32 s4, $0xA  }
0x5: {  	vm15 =	vcmask $0xB08;
	v1 =	vsel vm1, $0x80, v1;
	v2 =	vsel vm1, $0x4080, v2;
	s5 =	sshll.u32 s3, $0x9;
	[smem:$0x7FF] =	sst s2;
	s3 =	ssub.s32 $0x2, s3  }
0x6: {  	vm4 =	vcmask $0xF0C;
	v1 =	vsel vm15, $0x100, v1;
	v2 =	vsel vm15, $0x4100, v2;
	s4 =	sor.u32 s5, s4;
	_ =	strace $0x80000047;
	s21 =	sshrl.u32 s3, $0x1  }
0x7: {  	vm5 =	vcmask $0x1310;
	v1 =	vsel vm4, $0x180, v1;
	v2 =	vsel vm4, $0x4180, v2;
	s5 =	sshll.u32 s4, $0x7;
	s4 =	sshrl.u32 s4, $0x3;
	s3 =	ssub.s32 s3, s21  }
0x8: {  	vm6 =	vcmask $0x1714;
	s21 =	simm.s32 $0x4;
	v1 =	vsel vm5, $0x200, v1;
	v2 =	vsel vm5, $0x4200, v2;
	s1 =	sadd.s32 s5, s1;
	s0 =	sadd.s32 s0, s4  }
0x9: {  	vm7 =	vcmask $0x1B18;
	s20 =	smax.u32 s3, $0x1;
	v1 =	vsel vm6, $0x280, v1;
	v2 =	vsel vm6, $0x4280, v2;
	[dreg:$0x3] =	wrdreg s0;
	s22 =	sadd.s32 $0x400, s1  }
0xa: {  	vm8 =	vcmask $0x1F1C;
	s23 =	sadd.s32 $0x1400, s1;
	s24 =	sadd.s32 $0x2400, s1;
	s25 =	sadd.s32 $0x3400, s1;
	v1 =	vsel vm7, $0x300, v1;
	v2 =	vsel vm7, $0x4300, v2  }
0xb: {  	vm9 =	vcmask $0x2320;
	s26 =	sadd.s32 $0x4400, s1;
	s30 =	sadd.s32 $0x5400, s1;
	[dreg:$0x4] =	wrdreg s22;
	v1 =	vsel vm8, $0x380, v1;
	v2 =	vsel vm8, $0x4380, v2  }
0xc: {  	vm10 =	vcmask $0x2724;
	s31 =	sadd.s32 $0x6400, s1;
	s11 =	sadd.s32 $0x7400, s1;
	[dreg:$0x5] =	wrdreg s23;
	v1 =	vsel vm9, $0x2000, v1;
	v2 =	vsel vm9, $0x6000, v2  }
0xd: {  	vm11 =	vcmask $0x2B28;
	s12 =	sadd.s32 $0x8400, s1;
	s13 =	sadd.s32 $0x9400, s1;
	[dreg:$0x6] =	wrdreg s24;
	v1 =	vsel vm10, $0x2080, v1;
	v2 =	vsel vm10, $0x6080, v2  }
0xe: {  	vm12 =	vcmask $0x2F2C;
	s14 =	sadd.s32 $0xA400, s1;
	s15 =	sadd.s32 $0xB400, s1;
	[dreg:$0x7] =	wrdreg s25;
	v1 =	vsel vm11, $0x2100, v1;
	v2 =	vsel vm11, $0x6100, v2  }
0xf: {  	vm13 =	vcmask $0x3330;
	s16 =	sadd.s32 $0xC400, s1;
	s17 =	sadd.s32 $0xD400, s1;
	[dreg:$0x8] =	wrdreg s26;
	v1 =	vsel vm12, $0x2180, v1;
	v2 =	vsel vm12, $0x6180, v2  }
0x10: {  	vm14 =	vcmask $0x3734;
	s18 =	sadd.s32 $0xE400, s1;
	s19 =	sadd.s32 $0xF400, s1;
	[dreg:$0x9] =	wrdreg s30;
	v1 =	vsel vm13, $0x2200, v1;
	v2 =	vsel vm13, $0x6200, v2  }
0x11: {  	vm15 =	vcmask $0x3B38;
	[dreg:$0xa] =	wrdreg s31;
	s22 =	simm.s32 $0x200;
	s23 =	simm.s32 $0x8200;
	v1 =	vsel vm14, $0x2280, v1;
	v3 =	vsel vm14, $0x6280, v2  }
0x12: {  	s24 =	simm.s32 $0x10200;
	s25 =	simm.s32 $0x1;
	s26 =	simm.s32 $0x2;
	v2 =	vimm.s32 $0x1;
	v1 =	vsel vm15, $0x2300, v1;
	v3 =	vsel vm15, $0x6300, v3  }
.LBB2_1:
0x13: {  	s0 =	rddreg [dreg:$0x3]  }
0x14: {  	[tilespmem:s2], [sflag:$0x4] =	stream.linear.gather [hbm4b:s0+s2], $0x200, $0x38;
	[tilespmem:$0x18200] =	vst v63  }
0x15: {  	_ =	swait.ge [sflag:s21], $0x200  }
0x16: {  	s30 =	simm.s32 $0xFFFF8000;
	s31 =	simm.s32 $0x0;
	[sflag:s21] =	ssyncset.done $0x0  }
0x17: {  	s1 =	simm.s32 $0x0;
	s0 =	simm.s32 $0x0;
	[sflag:s21] =	ssyncadd.s32 $0xFFFFFE00  }
.LBB2_2:
0x18: {  	s3 =	sadd.s32 $0x8000, s30  }
0x19: {  	s4 =	sand.u32 $0x380, s1;
	s3 =	sand.u32 $0x6000, s3  }
0x1a: {  	s3 =	sor.u32 s4, s3  }
0x1b: {  	[tilespmem:s3+$0x200] =	vst v0  }
0x1c: {  	[tilespmem:s3+$0x210] =	vst v0  }
0x1d: {  	[tilespmem:s3+$0x220] =	vst v0  }
0x1e: {  	[tilespmem:s3+$0x230] =	vst v0  }
0x1f: {  	[tilespmem:s3+$0x240] =	vst v0  }
0x20: {  	[tilespmem:s3+$0x250] =	vst v0  }
0x21: {  	[tilespmem:s3+$0x260] =	vst v0  }
0x22: {  	[tilespmem:s3+$0x270] =	vst v0  }
0x23: {  	[tilespmem:s3+$0x600] =	vst v0  }
0x24: {  	[tilespmem:s3+$0x610] =	vst v0  }
0x25: {  	[tilespmem:s3+$0x620] =	vst v0  }
0x26: {  	[tilespmem:s3+$0x630] =	vst v0  }
0x27: {  	[tilespmem:s3+$0x640] =	vst v0  }
0x28: {  	[tilespmem:s3+$0x650] =	vst v0  }
0x29: {  	[tilespmem:s3+$0x660] =	vst v0  }
0x2a: {  	[tilespmem:s3+$0x670] =	vst v0  }
0x2b: {  	[tilespmem:s3+$0xA00] =	vst v0  }
0x2c: {  	[tilespmem:s3+$0xA10] =	vst v0  }
0x2d: {  	[tilespmem:s3+$0xA20] =	vst v0  }
0x2e: {  	[tilespmem:s3+$0xA30] =	vst v0  }
0x2f: {  	[tilespmem:s3+$0xA40] =	vst v0  }
0x30: {  	[tilespmem:s3+$0xA50] =	vst v0  }
0x31: {  	[tilespmem:s3+$0xA60] =	vst v0  }
0x32: {  	[tilespmem:s3+$0xA70] =	vst v0  }
0x33: {  	[tilespmem:s3+$0xE00] =	vst v0  }
0x34: {  	[tilespmem:s3+$0xE10] =	vst v0  }
0x35: {  	[tilespmem:s3+$0xE20] =	vst v0  }
0x36: {  	[tilespmem:s3+$0xE30] =	vst v0  }
0x37: {  	[tilespmem:s3+$0xE40] =	vst v0  }
0x38: {  	[tilespmem:s3+$0xE50] =	vst v0  }
0x39: {  	[tilespmem:s3+$0xE60] =	vst v0  }
0x3a: {  	[tilespmem:s3+$0xE70] =	vst v0  }
0x3b: {  	[tilespmem:s3+$0x1200] =	vst v0  }
0x3c: {  	[tilespmem:s3+$0x1210] =	vst v0  }
0x3d: {  	[tilespmem:s3+$0x1220] =	vst v0  }
0x3e: {  	[tilespmem:s3+$0x1230] =	vst v0  }
0x3f: {  	[tilespmem:s3+$0x1240] =	vst v0  }
0x40: {  	[tilespmem:s3+$0x1250] =	vst v0  }
0x41: {  	[tilespmem:s3+$0x1260] =	vst v0  }
0x42: {  	[tilespmem:s3+$0x1270] =	vst v0  }
0x43: {  	[tilespmem:s3+$0x1600] =	vst v0  }
0x44: {  	[tilespmem:s3+$0x1610] =	vst v0  }
0x45: {  	[tilespmem:s3+$0x1620] =	vst v0  }
0x46: {  	[tilespmem:s3+$0x1630] =	vst v0  }
0x47: {  	[tilespmem:s3+$0x1640] =	vst v0  }
0x48: {  	[tilespmem:s3+$0x1650] =	vst v0  }
0x49: {  	[tilespmem:s3+$0x1660] =	vst v0  }
0x4a: {  	[tilespmem:s3+$0x1670] =	vst v0  }
0x4b: {  	[tilespmem:s3+$0x1A00] =	vst v0  }
0x4c: {  	[tilespmem:s3+$0x1A10] =	vst v0  }
0x4d: {  	[tilespmem:s3+$0x1A20] =	vst v0  }
0x4e: {  	[tilespmem:s3+$0x1A30] =	vst v0  }
0x4f: {  	s10 =	sand.u32 $0x7, s31;
	[tilespmem:s3+$0x1A40] =	vst v0  }
0x50: {  	s4 =	sshll.u32 s10, $0x7;
	[tilespmem:s3+$0x1A50] =	vst v0  }
0x51: {  	s9 =	sadd.s32 s4, s0;
	[tilespmem:s3+$0x1A60] =	vst v0  }
0x52: {  	[tilespmem:s3+$0x1A70] =	vst v0;
	s4 =	sor.u32 $0x1C00, s9  }
0x53: {  	s5 =	sor.u32 $0x1C10, s9;
	[tilespmem:s4+$0x200] =	vst v0  }
0x54: {  	s6 =	sor.u32 $0x1C20, s9;
	[tilespmem:s5+$0x200] =	vst v0  }
0x55: {  	s7 =	sor.u32 $0x1C30, s9;
	[tilespmem:s6+$0x200] =	vst v0  }
0x56: {  	s8 =	sor.u32 $0x1C40, s9;
	[tilespmem:s7+$0x200] =	vst v0  }
0x57: {  	s10 =	sor.u32 $0x1C50, s9;
	[tilespmem:s8+$0x200] =	vst v0  }
0x58: {  	s9 =	sor.u32 $0x1C58, s9;
	[tilespmem:s10+$0x200] =	vst v0  }
0x59: {  	[tilespmem:s9+$0x200] =	vst v0  }
0x5a: {  	[tilespmem:s3+$0x8200] =	vst v0  }
0x5b: {  	[tilespmem:s3+$0x8210] =	vst v0  }
0x5c: {  	[tilespmem:s3+$0x8220] =	vst v0  }
0x5d: {  	[tilespmem:s3+$0x8230] =	vst v0  }
0x5e: {  	[tilespmem:s3+$0x8240] =	vst v0  }
0x5f: {  	[tilespmem:s3+$0x8250] =	vst v0  }
0x60: {  	[tilespmem:s3+$0x8260] =	vst v0  }
0x61: {  	[tilespmem:s3+$0x8270] =	vst v0  }
0x62: {  	[tilespmem:s3+$0x8600] =	vst v0  }
0x63: {  	[tilespmem:s3+$0x8610] =	vst v0  }
0x64: {  	[tilespmem:s3+$0x8620] =	vst v0  }
0x65: {  	[tilespmem:s3+$0x8630] =	vst v0  }
0x66: {  	[tilespmem:s3+$0x8640] =	vst v0  }
0x67: {  	[tilespmem:s3+$0x8650] =	vst v0  }
0x68: {  	[tilespmem:s3+$0x8660] =	vst v0  }
0x69: {  	[tilespmem:s3+$0x8670] =	vst v0  }
0x6a: {  	[tilespmem:s3+$0x8A00] =	vst v0  }
0x6b: {  	[tilespmem:s3+$0x8A10] =	vst v0  }
0x6c: {  	[tilespmem:s3+$0x8A20] =	vst v0  }
0x6d: {  	[tilespmem:s3+$0x8A30] =	vst v0  }
0x6e: {  	[tilespmem:s3+$0x8A40] =	vst v0  }
0x6f: {  	[tilespmem:s3+$0x8A50] =	vst v0  }
0x70: {  	[tilespmem:s3+$0x8A60] =	vst v0  }
0x71: {  	[tilespmem:s3+$0x8A70] =	vst v0  }
0x72: {  	[tilespmem:s3+$0x8E00] =	vst v0  }
0x73: {  	[tilespmem:s3+$0x8E10] =	vst v0  }
0x74: {  	[tilespmem:s3+$0x8E20] =	vst v0  }
0x75: {  	[tilespmem:s3+$0x8E30] =	vst v0  }
0x76: {  	[tilespmem:s3+$0x8E40] =	vst v0  }
0x77: {  	[tilespmem:s3+$0x8E50] =	vst v0  }
0x78: {  	[tilespmem:s3+$0x8E60] =	vst v0  }
0x79: {  	[tilespmem:s3+$0x8E70] =	vst v0  }
0x7a: {  	[tilespmem:s3+$0x9200] =	vst v0  }
0x7b: {  	[tilespmem:s3+$0x9210] =	vst v0  }
0x7c: {  	[tilespmem:s3+$0x9220] =	vst v0  }
0x7d: {  	[tilespmem:s3+$0x9230] =	vst v0  }
0x7e: {  	[tilespmem:s3+$0x9240] =	vst v0  }
0x7f: {  	[tilespmem:s3+$0x9250] =	vst v0  }
0x80: {  	[tilespmem:s3+$0x9260] =	vst v0  }
0x81: {  	[tilespmem:s3+$0x9270] =	vst v0  }
0x82: {  	[tilespmem:s3+$0x9600] =	vst v0  }
0x83: {  	[tilespmem:s3+$0x9610] =	vst v0  }
0x84: {  	[tilespmem:s3+$0x9620] =	vst v0  }
0x85: {  	[tilespmem:s3+$0x9630] =	vst v0  }
0x86: {  	[tilespmem:s3+$0x9640] =	vst v0  }
0x87: {  	[tilespmem:s3+$0x9650] =	vst v0  }
0x88: {  	[tilespmem:s3+$0x9660] =	vst v0  }
0x89: {  	[tilespmem:s3+$0x9670] =	vst v0  }
0x8a: {  	[tilespmem:s3+$0x9A00] =	vst v0  }
0x8b: {  	[tilespmem:s3+$0x9A10] =	vst v0  }
0x8c: {  	[tilespmem:s3+$0x9A20] =	vst v0  }
0x8d: {  	[tilespmem:s3+$0x9A30] =	vst v0  }
0x8e: {  	[tilespmem:s3+$0x9A40] =	vst v0  }
0x8f: {  	[tilespmem:s3+$0x9A50] =	vst v0  }
0x90: {  	[tilespmem:s3+$0x9A60] =	vst v0  }
0x91: {  	[tilespmem:s3+$0x9A70] =	vst v0  }
0x92: {  	[tilespmem:s4+$0x8200] =	vst v0  }
0x93: {  	[tilespmem:s5+$0x8200] =	vst v0  }
0x94: {  	[tilespmem:s6+$0x8200] =	vst v0  }
0x95: {  	[tilespmem:s7+$0x8200] =	vst v0  }
0x96: {  	[tilespmem:s8+$0x8200] =	vst v0  }
0x97: {  	[tilespmem:s10+$0x8200] =	vst v0  }
0x98: {  	[tilespmem:s9+$0x8200] =	vst v0  }
0x99: {  	[tilespmem:s3+$0x10200] =	vst v0  }
0x9a: {  	[tilespmem:s3+$0x10210] =	vst v0  }
0x9b: {  	[tilespmem:s3+$0x10220] =	vst v0  }
0x9c: {  	[tilespmem:s3+$0x10230] =	vst v0  }
0x9d: {  	[tilespmem:s3+$0x10240] =	vst v0  }
0x9e: {  	[tilespmem:s3+$0x10250] =	vst v0  }
0x9f: {  	[tilespmem:s3+$0x10260] =	vst v0  }
0xa0: {  	[tilespmem:s3+$0x10270] =	vst v0  }
0xa1: {  	[tilespmem:s3+$0x10600] =	vst v0  }
0xa2: {  	[tilespmem:s3+$0x10610] =	vst v0  }
0xa3: {  	[tilespmem:s3+$0x10620] =	vst v0  }
0xa4: {  	[tilespmem:s3+$0x10630] =	vst v0  }
0xa5: {  	[tilespmem:s3+$0x10640] =	vst v0  }
0xa6: {  	[tilespmem:s3+$0x10650] =	vst v0  }
0xa7: {  	[tilespmem:s3+$0x10660] =	vst v0  }
0xa8: {  	[tilespmem:s3+$0x10670] =	vst v0  }
0xa9: {  	[tilespmem:s3+$0x10A00] =	vst v0  }
0xaa: {  	[tilespmem:s3+$0x10A10] =	vst v0  }
0xab: {  	[tilespmem:s3+$0x10A20] =	vst v0  }
0xac: {  	[tilespmem:s3+$0x10A30] =	vst v0  }
0xad: {  	[tilespmem:s3+$0x10A40] =	vst v0  }
0xae: {  	[tilespmem:s3+$0x10A50] =	vst v0  }
0xaf: {  	[tilespmem:s3+$0x10A60] =	vst v0  }
0xb0: {  	[tilespmem:s3+$0x10A70] =	vst v0  }
0xb1: {  	[tilespmem:s3+$0x10E00] =	vst v0  }
0xb2: {  	[tilespmem:s3+$0x10E10] =	vst v0  }
0xb3: {  	[tilespmem:s3+$0x10E20] =	vst v0  }
0xb4: {  	[tilespmem:s3+$0x10E30] =	vst v0  }
0xb5: {  	[tilespmem:s3+$0x10E40] =	vst v0  }
0xb6: {  	[tilespmem:s3+$0x10E50] =	vst v0  }
0xb7: {  	[tilespmem:s3+$0x10E60] =	vst v0  }
0xb8: {  	[tilespmem:s3+$0x10E70] =	vst v0  }
0xb9: {  	[tilespmem:s3+$0x11200] =	vst v0  }
0xba: {  	[tilespmem:s3+$0x11210] =	vst v0  }
0xbb: {  	[tilespmem:s3+$0x11220] =	vst v0  }
0xbc: {  	[tilespmem:s3+$0x11230] =	vst v0  }
0xbd: {  	[tilespmem:s3+$0x11240] =	vst v0  }
0xbe: {  	[tilespmem:s3+$0x11250] =	vst v0  }
0xbf: {  	[tilespmem:s3+$0x11260] =	vst v0  }
0xc0: {  	[tilespmem:s3+$0x11270] =	vst v0  }
0xc1: {  	[tilespmem:s3+$0x11600] =	vst v0  }
0xc2: {  	[tilespmem:s3+$0x11610] =	vst v0  }
0xc3: {  	[tilespmem:s3+$0x11620] =	vst v0  }
0xc4: {  	[tilespmem:s3+$0x11630] =	vst v0  }
0xc5: {  	[tilespmem:s3+$0x11640] =	vst v0  }
0xc6: {  	[tilespmem:s3+$0x11650] =	vst v0  }
0xc7: {  	[tilespmem:s3+$0x11660] =	vst v0  }
0xc8: {  	[tilespmem:s3+$0x11670] =	vst v0  }
0xc9: {  	[tilespmem:s3+$0x11A00] =	vst v0  }
0xca: {  	[tilespmem:s3+$0x11A10] =	vst v0  }
0xcb: {  	[tilespmem:s3+$0x11A20] =	vst v0  }
0xcc: {  	[tilespmem:s3+$0x11A30] =	vst v0  }
0xcd: {  	[tilespmem:s3+$0x11A40] =	vst v0  }
0xce: {  	[tilespmem:s3+$0x11A50] =	vst v0  }
0xcf: {  	[tilespmem:s3+$0x11A60] =	vst v0  }
0xd0: {  	[tilespmem:s3+$0x11A70] =	vst v0  }
0xd1: {  	[tilespmem:s4+$0x10200] =	vst v0  }
0xd2: {  	p0 =	sne.s32 s1, $0xF80;
	[tilespmem:s5+$0x10200] =	vst v0  }
.Ltmp0:
0xd3: {  	[tilespmem:s6+$0x10200] =	vst v0;
	(pc) =	sbr.rel @p0 .LBB2_2-.Ltmp0, $4  }
0xd4: {  	[tilespmem:s7+$0x10200] =	vst v0  }
0xd5: {  	[tilespmem:s8+$0x10200] =	vst v0  }
0xd6: {  	s31 =	sadd.s32 $0x1, s31;
	[tilespmem:s10+$0x10200] =	vst v0  }
0xd7: {  	s30 =	sadd.s32 $0x400, s30;
	s1 =	sadd.s32 $0x80, s1;
	s0 =	sadd.s32 $0x400, s0;
	[tilespmem:s9+$0x10200] =	vst v0  }
0xd8: {  	v4 =	vld [tilespmem:$0x0];
	_ =	sdelay $0x4  }
0xd9: {  	v5 =	vshll.u32 v4, $0x3  }
0xda: {  	v4 =	vand.u32 $0x7F, v4;
	v5 =	vand.u32 $0xFFFFFC00, v5  }
0xdb: {  	v4 =	vor.u32 v4, v5  }
0xdc: {  	v4 =	vadd.s32 v1, v4;
	_ =	sdelay $0x4  }
0xdd: {  	[tilespmem:v4+s22+$0x0] =	vst.idx.msk $0xffff, v2  }
0xde: {  	v4 =	vld [tilespmem:$0x10];
	_ =	sdelay $0x4  }
0xdf: {  	v5 =	vshll.u32 v4, $0x3  }
0xe0: {  	v4 =	vand.u32 $0x7F, v4;
	v5 =	vand.u32 $0xFFFFFC00, v5  }
0xe1: {  	v4 =	vor.u32 v4, v5  }
0xe2: {  	v4 =	vadd.s32 v3, v4;
	_ =	sdelay $0x4  }
0xe3: {  	s0 =	rddreg [dreg:$0x4];
	[tilespmem:v4+s22+$0x0] =	vst.idx.msk $0xffff, v2  }
0xe4: {  	[hbm4b:s0+s2] =	stream.linear.scatter [tilespmem:s22], [sflag:$0x1], $0x8000, $0x38;
	[tilespmem:$0x18200] =	vst v63  }
0xe5: {  	v4 =	vld [tilespmem:$0x20];
	_ =	sdelay $0x4  }
0xe6: {  	v5 =	vshll.u32 v4, $0x3  }
0xe7: {  	v4 =	vand.u32 $0x7F, v4;
	v5 =	vand.u32 $0xFFFFFC00, v5  }
0xe8: {  	v4 =	vor.u32 v4, v5  }
0xe9: {  	v4 =	vadd.s32 v1, v4;
	_ =	sdelay $0x4  }
0xea: {  	[tilespmem:v4+s23+$0x0] =	vst.idx.msk $0xffff, v2  }
0xeb: {  	v4 =	vld [tilespmem:$0x30];
	_ =	sdelay $0x4  }
0xec: {  	v5 =	vshll.u32 v4, $0x3  }
0xed: {  	v4 =	vand.u32 $0x7F, v4;
	v5 =	vand.u32 $0xFFFFFC00, v5  }
0xee: {  	v4 =	vor.u32 v4, v5  }
0xef: {  	v4 =	vadd.s32 v3, v4;
	_ =	sdelay $0x4  }
0xf0: {  	s7 =	rddreg [dreg:$0x5];
	[tilespmem:v4+s23+$0x0] =	vst.idx.msk $0xffff, v2  }
0xf1: {  	[hbm4b:s7+s2] =	stream.linear.scatter [tilespmem:s23], [sflag:$0x2], $0x8000, $0x38;
	[tilespmem:$0x18200] =	vst v63  }
0xf2: {  	v4 =	vld [tilespmem:$0x40];
	_ =	sdelay $0x4  }
0xf3: {  	v5 =	vshll.u32 v4, $0x3  }
0xf4: {  	v4 =	vand.u32 $0x7F, v4;
	v5 =	vand.u32 $0xFFFFFC00, v5  }
0xf5: {  	v4 =	vor.u32 v4, v5  }
0xf6: {  	v4 =	vadd.s32 v1, v4;
	_ =	sdelay $0x4  }
0xf7: {  	[tilespmem:v4+s24+$0x0] =	vst.idx.msk $0xffff, v2  }
0xf8: {  	v4 =	vld [tilespmem:$0x50];
	_ =	sdelay $0x4  }
0xf9: {  	v5 =	vshll.u32 v4, $0x3  }
0xfa: {  	v4 =	vand.u32 $0x7F, v4;
	v5 =	vand.u32 $0xFFFFFC00, v5  }
0xfb: {  	v4 =	vor.u32 v4, v5  }
0xfc: {  	v4 =	vadd.s32 v3, v4;
	_ =	sdelay $0x4  }
0xfd: {  	s8 =	rddreg [dreg:$0x6];
	[tilespmem:v4+s24+$0x0] =	vst.idx.msk $0xffff, v2  }
0xfe: {  	[hbm4b:s8+s2] =	stream.linear.scatter [tilespmem:s24], [sflag:$0x3], $0x8000, $0x38;
	[tilespmem:$0x18200] =	vst v63  }
0xff: {  	_ =	swait.ge [sflag:s25], $0x8000  }
0x100: {  	[sflag:s25] =	ssyncset.done $0x0  }
0x101: {  	[sflag:s25] =	ssyncadd.s32 $0xFFFF8000  }
0x102: {  	v4 =	vld [tilespmem:$0x0];
	_ =	sdelay $0x4  }
0x103: {  	v5 =	vshll.u32 v4, $0x3  }
0x104: {  	v4 =	vand.u32 $0x7F, v4;
	v5 =	vand.u32 $0xFFFFFC00, v5  }
0x105: {  	v4 =	vor.u32 v4, v5  }
0x106: {  	v4 =	vadd.s32 v1, v4;
	_ =	sdelay $0x4  }
0x107: {  	[tilespmem:v4+s22+$0x0] =	vst.idx.msk $0xffff, v0  }
0x108: {  	v4 =	vld [tilespmem:$0x10];
	_ =	sdelay $0x4  }
0x109: {  	v5 =	vshll.u32 v4, $0x3  }
0x10a: {  	v4 =	vand.u32 $0x7F, v4;
	v5 =	vand.u32 $0xFFFFFC00, v5  }
0x10b: {  	v4 =	vor.u32 v4, v5  }
0x10c: {  	v4 =	vadd.s32 v3, v4;
	_ =	sdelay $0x4  }
0x10d: {  	[tilespmem:v4+s22+$0x0] =	vst.idx.msk $0xffff, v0  }
0x10e: {  	v4 =	vld [tilespmem:$0x60];
	_ =	sdelay $0x4  }
0x10f: {  	v5 =	vshll.u32 v4, $0x3  }
0x110: {  	v4 =	vand.u32 $0x7F, v4;
	v5 =	vand.u32 $0xFFFFFC00, v5  }
0x111: {  	v4 =	vor.u32 v4, v5  }
0x112: {  	v4 =	vadd.s32 v1, v4;
	_ =	sdelay $0x4  }
0x113: {  	[tilespmem:v4+s22+$0x0] =	vst.idx.msk $0xffff, v2  }
0x114: {  	v4 =	vld [tilespmem:$0x70];
	_ =	sdelay $0x4  }
0x115: {  	v5 =	vshll.u32 v4, $0x3  }
0x116: {  	v4 =	vand.u32 $0x7F, v4;
	v5 =	vand.u32 $0xFFFFFC00, v5  }
0x117: {  	v4 =	vor.u32 v4, v5  }
0x118: {  	v4 =	vadd.s32 v3, v4;
	_ =	sdelay $0x4  }
0x119: {  	s9 =	rddreg [dreg:$0x7];
	[tilespmem:v4+s22+$0x0] =	vst.idx.msk $0xffff, v2  }
0x11a: {  	[hbm4b:s9+s2] =	stream.linear.scatter [tilespmem:s22], [sflag:$0x1], $0x8000, $0x38;
	[tilespmem:$0x18200] =	vst v63  }
0x11b: {  	_ =	swait.ge [sflag:s26], $0x8000  }
0x11c: {  	[sflag:s26] =	ssyncset.done $0x0  }
0x11d: {  	[sflag:s26] =	ssyncadd.s32 $0xFFFF8000  }
0x11e: {  	v4 =	vld [tilespmem:$0x20];
	_ =	sdelay $0x4  }
0x11f: {  	v5 =	vshll.u32 v4, $0x3  }
0x120: {  	v4 =	vand.u32 $0x7F, v4;
	v5 =	vand.u32 $0xFFFFFC00, v5  }
0x121: {  	v4 =	vor.u32 v4, v5  }
0x122: {  	v4 =	vadd.s32 v1, v4;
	_ =	sdelay $0x4  }
0x123: {  	[tilespmem:v4+s23+$0x0] =	vst.idx.msk $0xffff, v0  }
0x124: {  	v4 =	vld [tilespmem:$0x30];
	_ =	sdelay $0x4  }
0x125: {  	v5 =	vshll.u32 v4, $0x3  }
0x126: {  	v4 =	vand.u32 $0x7F, v4;
	v5 =	vand.u32 $0xFFFFFC00, v5  }
0x127: {  	v4 =	vor.u32 v4, v5  }
0x128: {  	v4 =	vadd.s32 v3, v4;
	_ =	sdelay $0x4  }
0x129: {  	[tilespmem:v4+s23+$0x0] =	vst.idx.msk $0xffff, v0  }
0x12a: {  	v4 =	vld [tilespmem:$0x80];
	_ =	sdelay $0x4  }
0x12b: {  	v5 =	vshll.u32 v4, $0x3  }
0x12c: {  	v4 =	vand.u32 $0x7F, v4;
	v5 =	vand.u32 $0xFFFFFC00, v5  }
0x12d: {  	v4 =	vor.u32 v4, v5  }
0x12e: {  	v4 =	vadd.s32 v1, v4;
	_ =	sdelay $0x4  }
0x12f: {  	[tilespmem:v4+s23+$0x0] =	vst.idx.msk $0xffff, v2  }
0x130: {  	v4 =	vld [tilespmem:$0x90];
	_ =	sdelay $0x4  }
0x131: {  	v5 =	vshll.u32 v4, $0x3  }
0x132: {  	v4 =	vand.u32 $0x7F, v4;
	v5 =	vand.u32 $0xFFFFFC00, v5  }
0x133: {  	v4 =	vor.u32 v4, v5  }
0x134: {  	v4 =	vadd.s32 v3, v4;
	_ =	sdelay $0x4  }
0x135: {  	s10 =	rddreg [dreg:$0x8];
	[tilespmem:v4+s23+$0x0] =	vst.idx.msk $0xffff, v2  }
0x136: {  	[hbm4b:s10+s2] =	stream.linear.scatter [tilespmem:s23], [sflag:$0x2], $0x8000, $0x38;
	[tilespmem:$0x18200] =	vst v63  }
0x137: {  	_ =	swait.ge [sflag:s28], $0x8000  }
0x138: {  	[sflag:s28] =	ssyncset.done $0x0  }
0x139: {  	[sflag:s28] =	ssyncadd.s32 $0xFFFF8000  }
0x13a: {  	v4 =	vld [tilespmem:$0x40];
	_ =	sdelay $0x4  }
0x13b: {  	v5 =	vshll.u32 v4, $0x3  }
0x13c: {  	v4 =	vand.u32 $0x7F, v4;
	v5 =	vand.u32 $0xFFFFFC00, v5  }
0x13d: {  	v4 =	vor.u32 v4, v5  }
0x13e: {  	v4 =	vadd.s32 v1, v4;
	_ =	sdelay $0x4  }
0x13f: {  	[tilespmem:v4+s24+$0x0] =	vst.idx.msk $0xffff, v0  }
0x140: {  	v4 =	vld [tilespmem:$0x50];
	_ =	sdelay $0x4  }
0x141: {  	v5 =	vshll.u32 v4, $0x3  }
0x142: {  	v4 =	vand.u32 $0x7F, v4;
	v5 =	vand.u32 $0xFFFFFC00, v5  }
0x143: {  	v4 =	vor.u32 v4, v5  }
0x144: {  	v4 =	vadd.s32 v3, v4;
	_ =	sdelay $0x4  }
0x145: {  	[tilespmem:v4+s24+$0x0] =	vst.idx.msk $0xffff, v0  }
0x146: {  	v4 =	vld [tilespmem:$0xA0];
	_ =	sdelay $0x4  }
0x147: {  	v5 =	vshll.u32 v4, $0x3  }
0x148: {  	v4 =	vand.u32 $0x7F, v4;
	v5 =	vand.u32 $0xFFFFFC00, v5  }
0x149: {  	v4 =	vor.u32 v4, v5  }
0x14a: {  	v4 =	vadd.s32 v1, v4;
	_ =	sdelay $0x4  }
0x14b: {  	[tilespmem:v4+s24+$0x0] =	vst.idx.msk $0xffff, v2  }
0x14c: {  	v4 =	vld [tilespmem:$0xB0];
	_ =	sdelay $0x4  }
0x14d: {  	v5 =	vshll.u32 v4, $0x3  }
0x14e: {  	v4 =	vand.u32 $0x7F, v4;
	v5 =	vand.u32 $0xFFFFFC00, v5  }
0x14f: {  	v4 =	vor.u32 v4, v5  }
0x150: {  	v4 =	vadd.s32 v3, v4;
	_ =	sdelay $0x4  }
0x151: {  	s30 =	rddreg [dreg:$0x9];
	[tilespmem:v4+s24+$0x0] =	vst.idx.msk $0xffff, v2  }
0x152: {  	[hbm4b:s30+s2] =	stream.linear.scatter [tilespmem:s24], [sflag:$0x3], $0x8000, $0x38;
	[tilespmem:$0x18200] =	vst v63  }
0x153: {  	_ =	swait.ge [sflag:s25], $0x8000  }
0x154: {  	[sflag:s25] =	ssyncset.done $0x0  }
0x155: {  	[sflag:s25] =	ssyncadd.s32 $0xFFFF8000  }
0x156: {  	v4 =	vld [tilespmem:$0x60];
	_ =	sdelay $0x4  }
0x157: {  	v5 =	vshll.u32 v4, $0x3  }
0x158: {  	v4 =	vand.u32 $0x7F, v4;
	v5 =	vand.u32 $0xFFFFFC00, v5  }
0x159: {  	v4 =	vor.u32 v4, v5  }
0x15a: {  	v4 =	vadd.s32 v1, v4;
	_ =	sdelay $0x4  }
0x15b: {  	[tilespmem:v4+s22+$0x0] =	vst.idx.msk $0xffff, v0  }
0x15c: {  	v4 =	vld [tilespmem:$0x70];
	_ =	sdelay $0x4  }
0x15d: {  	v5 =	vshll.u32 v4, $0x3  }
0x15e: {  	v4 =	vand.u32 $0x7F, v4;
	v5 =	vand.u32 $0xFFFFFC00, v5  }
0x15f: {  	v4 =	vor.u32 v4, v5  }
0x160: {  	v4 =	vadd.s32 v3, v4;
	_ =	sdelay $0x4  }
0x161: {  	[tilespmem:v4+s22+$0x0] =	vst.idx.msk $0xffff, v0  }
0x162: {  	v4 =	vld [tilespmem:$0xC0];
	_ =	sdelay $0x4  }
0x163: {  	v5 =	vshll.u32 v4, $0x3  }
0x164: {  	v4 =	vand.u32 $0x7F, v4;
	v5 =	vand.u32 $0xFFFFFC00, v5  }
0x165: {  	v4 =	vor.u32 v4, v5  }
0x166: {  	v4 =	vadd.s32 v1, v4;
	_ =	sdelay $0x4  }
0x167: {  	[tilespmem:v4+s22+$0x0] =	vst.idx.msk $0xffff, v2  }
0x168: {  	v4 =	vld [tilespmem:$0xD0];
	_ =	sdelay $0x4  }
0x169: {  	v5 =	vshll.u32 v4, $0x3  }
0x16a: {  	v4 =	vand.u32 $0x7F, v4;
	v5 =	vand.u32 $0xFFFFFC00, v5  }
0x16b: {  	v4 =	vor.u32 v4, v5  }
0x16c: {  	v4 =	vadd.s32 v3, v4;
	_ =	sdelay $0x4  }
0x16d: {  	s31 =	rddreg [dreg:$0xa];
	[tilespmem:v4+s22+$0x0] =	vst.idx.msk $0xffff, v2  }
0x16e: {  	[hbm4b:s31+s2] =	stream.linear.scatter [tilespmem:s22], [sflag:$0x1], $0x8000, $0x38;
	[tilespmem:$0x18200] =	vst v63  }
0x16f: {  	_ =	swait.ge [sflag:s26], $0x8000  }
0x170: {  	[sflag:s26] =	ssyncset.done $0x0  }
0x171: {  	[sflag:s26] =	ssyncadd.s32 $0xFFFF8000  }
0x172: {  	v4 =	vld [tilespmem:$0x80];
	_ =	sdelay $0x4  }
0x173: {  	v5 =	vshll.u32 v4, $0x3  }
0x174: {  	v4 =	vand.u32 $0x7F, v4;
	v5 =	vand.u32 $0xFFFFFC00, v5  }
0x175: {  	v4 =	vor.u32 v4, v5  }
0x176: {  	v4 =	vadd.s32 v1, v4;
	_ =	sdelay $0x4  }
0x177: {  	[tilespmem:v4+s23+$0x0] =	vst.idx.msk $0xffff, v0  }
0x178: {  	v4 =	vld [tilespmem:$0x90];
	_ =	sdelay $0x4  }
0x179: {  	v5 =	vshll.u32 v4, $0x3  }
0x17a: {  	v4 =	vand.u32 $0x7F, v4;
	v5 =	vand.u32 $0xFFFFFC00, v5  }
0x17b: {  	v4 =	vor.u32 v4, v5  }
0x17c: {  	v4 =	vadd.s32 v3, v4;
	_ =	sdelay $0x4  }
0x17d: {  	[tilespmem:v4+s23+$0x0] =	vst.idx.msk $0xffff, v0  }
0x17e: {  	v4 =	vld [tilespmem:$0xE0];
	_ =	sdelay $0x4  }
0x17f: {  	v5 =	vshll.u32 v4, $0x3  }
0x180: {  	v4 =	vand.u32 $0x7F, v4;
	v5 =	vand.u32 $0xFFFFFC00, v5  }
0x181: {  	v4 =	vor.u32 v4, v5  }
0x182: {  	v4 =	vadd.s32 v1, v4;
	_ =	sdelay $0x4  }
0x183: {  	[tilespmem:v4+s23+$0x0] =	vst.idx.msk $0xffff, v2  }
0x184: {  	v4 =	vld [tilespmem:$0xF0];
	_ =	sdelay $0x4  }
0x185: {  	v5 =	vshll.u32 v4, $0x3  }
0x186: {  	v4 =	vand.u32 $0x7F, v4;
	v5 =	vand.u32 $0xFFFFFC00, v5  }
0x187: {  	v4 =	vor.u32 v4, v5  }
0x188: {  	v4 =	vadd.s32 v3, v4;
	_ =	sdelay $0x4  }
0x189: {  	[tilespmem:v4+s23+$0x0] =	vst.idx.msk $0xffff, v2  }
0x18a: {  	[hbm4b:s11+s2] =	stream.linear.scatter [tilespmem:s23], [sflag:$0x2], $0x8000, $0x38;
	[tilespmem:$0x18200] =	vst v63  }
0x18b: {  	_ =	swait.ge [sflag:s28], $0x8000  }
0x18c: {  	[sflag:s28] =	ssyncset.done $0x0  }
0x18d: {  	[sflag:s28] =	ssyncadd.s32 $0xFFFF8000  }
0x18e: {  	v4 =	vld [tilespmem:$0xA0];
	_ =	sdelay $0x4  }
0x18f: {  	v5 =	vshll.u32 v4, $0x3  }
0x190: {  	v4 =	vand.u32 $0x7F, v4;
	v5 =	vand.u32 $0xFFFFFC00, v5  }
0x191: {  	v4 =	vor.u32 v4, v5  }
0x192: {  	v4 =	vadd.s32 v1, v4;
	_ =	sdelay $0x4  }
0x193: {  	[tilespmem:v4+s24+$0x0] =	vst.idx.msk $0xffff, v0  }
0x194: {  	v4 =	vld [tilespmem:$0xB0];
	_ =	sdelay $0x4  }
0x195: {  	v5 =	vshll.u32 v4, $0x3  }
0x196: {  	v4 =	vand.u32 $0x7F, v4;
	v5 =	vand.u32 $0xFFFFFC00, v5  }
0x197: {  	v4 =	vor.u32 v4, v5  }
0x198: {  	v4 =	vadd.s32 v3, v4;
	_ =	sdelay $0x4  }
0x199: {  	[tilespmem:v4+s24+$0x0] =	vst.idx.msk $0xffff, v0  }
0x19a: {  	v4 =	vld [tilespmem:$0x100];
	_ =	sdelay $0x4  }
0x19b: {  	v5 =	vshll.u32 v4, $0x3  }
0x19c: {  	v4 =	vand.u32 $0x7F, v4;
	v5 =	vand.u32 $0xFFFFFC00, v5  }
0x19d: {  	v4 =	vor.u32 v4, v5  }
0x19e: {  	v4 =	vadd.s32 v1, v4;
	_ =	sdelay $0x4  }
0x19f: {  	[tilespmem:v4+s24+$0x0] =	vst.idx.msk $0xffff, v2  }
0x1a0: {  	v4 =	vld [tilespmem:$0x110];
	_ =	sdelay $0x4  }
0x1a1: {  	v5 =	vshll.u32 v4, $0x3  }
0x1a2: {  	v4 =	vand.u32 $0x7F, v4;
	v5 =	vand.u32 $0xFFFFFC00, v5  }
0x1a3: {  	v4 =	vor.u32 v4, v5  }
0x1a4: {  	v4 =	vadd.s32 v3, v4;
	_ =	sdelay $0x4  }
0x1a5: {  	[tilespmem:v4+s24+$0x0] =	vst.idx.msk $0xffff, v2  }
0x1a6: {  	[hbm4b:s12+s2] =	stream.linear.scatter [tilespmem:s24], [sflag:$0x3], $0x8000, $0x38;
	[tilespmem:$0x18200] =	vst v63  }
0x1a7: {  	_ =	swait.ge [sflag:s25], $0x8000  }
0x1a8: {  	[sflag:s25] =	ssyncset.done $0x0  }
0x1a9: {  	[sflag:s25] =	ssyncadd.s32 $0xFFFF8000  }
0x1aa: {  	v4 =	vld [tilespmem:$0xC0];
	_ =	sdelay $0x4  }
0x1ab: {  	v5 =	vshll.u32 v4, $0x3  }
0x1ac: {  	v4 =	vand.u32 $0x7F, v4;
	v5 =	vand.u32 $0xFFFFFC00, v5  }
0x1ad: {  	v4 =	vor.u32 v4, v5  }
0x1ae: {  	v4 =	vadd.s32 v1, v4;
	_ =	sdelay $0x4  }
0x1af: {  	[tilespmem:v4+s22+$0x0] =	vst.idx.msk $0xffff, v0  }
0x1b0: {  	v4 =	vld [tilespmem:$0xD0];
	_ =	sdelay $0x4  }
0x1b1: {  	v5 =	vshll.u32 v4, $0x3  }
0x1b2: {  	v4 =	vand.u32 $0x7F, v4;
	v5 =	vand.u32 $0xFFFFFC00, v5  }
0x1b3: {  	v4 =	vor.u32 v4, v5  }
0x1b4: {  	v4 =	vadd.s32 v3, v4;
	_ =	sdelay $0x4  }
0x1b5: {  	[tilespmem:v4+s22+$0x0] =	vst.idx.msk $0xffff, v0  }
0x1b6: {  	v4 =	vld [tilespmem:$0x120];
	_ =	sdelay $0x4  }
0x1b7: {  	v5 =	vshll.u32 v4, $0x3  }
0x1b8: {  	v4 =	vand.u32 $0x7F, v4;
	v5 =	vand.u32 $0xFFFFFC00, v5  }
0x1b9: {  	v4 =	vor.u32 v4, v5  }
0x1ba: {  	v4 =	vadd.s32 v1, v4;
	_ =	sdelay $0x4  }
0x1bb: {  	[tilespmem:v4+s22+$0x0] =	vst.idx.msk $0xffff, v2  }
0x1bc: {  	v4 =	vld [tilespmem:$0x130];
	_ =	sdelay $0x4  }
0x1bd: {  	v5 =	vshll.u32 v4, $0x3  }
0x1be: {  	v4 =	vand.u32 $0x7F, v4;
	v5 =	vand.u32 $0xFFFFFC00, v5  }
0x1bf: {  	v4 =	vor.u32 v4, v5  }
0x1c0: {  	v4 =	vadd.s32 v3, v4;
	_ =	sdelay $0x4  }
0x1c1: {  	[tilespmem:v4+s22+$0x0] =	vst.idx.msk $0xffff, v2  }
0x1c2: {  	[hbm4b:s13+s2] =	stream.linear.scatter [tilespmem:s22], [sflag:$0x1], $0x8000, $0x38;
	[tilespmem:$0x18200] =	vst v63  }
0x1c3: {  	_ =	swait.ge [sflag:s26], $0x8000  }
0x1c4: {  	[sflag:s26] =	ssyncset.done $0x0  }
0x1c5: {  	[sflag:s26] =	ssyncadd.s32 $0xFFFF8000  }
0x1c6: {  	v4 =	vld [tilespmem:$0xE0];
	_ =	sdelay $0x4  }
0x1c7: {  	v5 =	vshll.u32 v4, $0x3  }
0x1c8: {  	v4 =	vand.u32 $0x7F, v4;
	v5 =	vand.u32 $0xFFFFFC00, v5  }
0x1c9: {  	v4 =	vor.u32 v4, v5  }
0x1ca: {  	v4 =	vadd.s32 v1, v4;
	_ =	sdelay $0x4  }
0x1cb: {  	[tilespmem:v4+s23+$0x0] =	vst.idx.msk $0xffff, v0  }
0x1cc: {  	v4 =	vld [tilespmem:$0xF0];
	_ =	sdelay $0x4  }
0x1cd: {  	v5 =	vshll.u32 v4, $0x3  }
0x1ce: {  	v4 =	vand.u32 $0x7F, v4;
	v5 =	vand.u32 $0xFFFFFC00, v5  }
0x1cf: {  	v4 =	vor.u32 v4, v5  }
0x1d0: {  	v4 =	vadd.s32 v3, v4;
	_ =	sdelay $0x4  }
0x1d1: {  	[tilespmem:v4+s23+$0x0] =	vst.idx.msk $0xffff, v0  }
0x1d2: {  	v4 =	vld [tilespmem:$0x140];
	_ =	sdelay $0x4  }
0x1d3: {  	v5 =	vshll.u32 v4, $0x3  }
0x1d4: {  	v4 =	vand.u32 $0x7F, v4;
	v5 =	vand.u32 $0xFFFFFC00, v5  }
0x1d5: {  	v4 =	vor.u32 v4, v5  }
0x1d6: {  	v4 =	vadd.s32 v1, v4;
	_ =	sdelay $0x4  }
0x1d7: {  	[tilespmem:v4+s23+$0x0] =	vst.idx.msk $0xffff, v2  }
0x1d8: {  	v4 =	vld [tilespmem:$0x150];
	_ =	sdelay $0x4  }
0x1d9: {  	v5 =	vshll.u32 v4, $0x3  }
0x1da: {  	v4 =	vand.u32 $0x7F, v4;
	v5 =	vand.u32 $0xFFFFFC00, v5  }
0x1db: {  	v4 =	vor.u32 v4, v5  }
0x1dc: {  	v4 =	vadd.s32 v3, v4;
	_ =	sdelay $0x4  }
0x1dd: {  	[tilespmem:v4+s23+$0x0] =	vst.idx.msk $0xffff, v2  }
0x1de: {  	[hbm4b:s14+s2] =	stream.linear.scatter [tilespmem:s23], [sflag:$0x2], $0x8000, $0x38;
	[tilespmem:$0x18200] =	vst v63  }
0x1df: {  	_ =	swait.ge [sflag:s28], $0x8000  }
0x1e0: {  	[sflag:s28] =	ssyncset.done $0x0  }
0x1e1: {  	[sflag:s28] =	ssyncadd.s32 $0xFFFF8000  }
0x1e2: {  	v4 =	vld [tilespmem:$0x100];
	_ =	sdelay $0x4  }
0x1e3: {  	v5 =	vshll.u32 v4, $0x3  }
0x1e4: {  	v4 =	vand.u32 $0x7F, v4;
	v5 =	vand.u32 $0xFFFFFC00, v5  }
0x1e5: {  	v4 =	vor.u32 v4, v5  }
0x1e6: {  	v4 =	vadd.s32 v1, v4;
	_ =	sdelay $0x4  }
0x1e7: {  	[tilespmem:v4+s24+$0x0] =	vst.idx.msk $0xffff, v0  }
0x1e8: {  	v4 =	vld [tilespmem:$0x110];
	_ =	sdelay $0x4  }
0x1e9: {  	v5 =	vshll.u32 v4, $0x3  }
0x1ea: {  	v4 =	vand.u32 $0x7F, v4;
	v5 =	vand.u32 $0xFFFFFC00, v5  }
0x1eb: {  	v4 =	vor.u32 v4, v5  }
0x1ec: {  	v4 =	vadd.s32 v3, v4;
	_ =	sdelay $0x4  }
0x1ed: {  	[tilespmem:v4+s24+$0x0] =	vst.idx.msk $0xffff, v0  }
0x1ee: {  	v4 =	vld [tilespmem:$0x160];
	_ =	sdelay $0x4  }
0x1ef: {  	v5 =	vshll.u32 v4, $0x3  }
0x1f0: {  	v4 =	vand.u32 $0x7F, v4;
	v5 =	vand.u32 $0xFFFFFC00, v5  }
0x1f1: {  	v4 =	vor.u32 v4, v5  }
0x1f2: {  	v4 =	vadd.s32 v1, v4;
	_ =	sdelay $0x4  }
0x1f3: {  	[tilespmem:v4+s24+$0x0] =	vst.idx.msk $0xffff, v2  }
0x1f4: {  	v4 =	vld [tilespmem:$0x170];
	_ =	sdelay $0x4  }
0x1f5: {  	v5 =	vshll.u32 v4, $0x3  }
0x1f6: {  	v4 =	vand.u32 $0x7F, v4;
	v5 =	vand.u32 $0xFFFFFC00, v5  }
0x1f7: {  	v4 =	vor.u32 v4, v5  }
0x1f8: {  	v4 =	vadd.s32 v3, v4;
	_ =	sdelay $0x4  }
0x1f9: {  	[tilespmem:v4+s24+$0x0] =	vst.idx.msk $0xffff, v2  }
0x1fa: {  	[hbm4b:s15+s2] =	stream.linear.scatter [tilespmem:s24], [sflag:$0x3], $0x8000, $0x38;
	[tilespmem:$0x18200] =	vst v63  }
0x1fb: {  	_ =	swait.ge [sflag:s25], $0x8000  }
0x1fc: {  	[sflag:s25] =	ssyncset.done $0x0  }
0x1fd: {  	[sflag:s25] =	ssyncadd.s32 $0xFFFF8000  }
0x1fe: {  	v4 =	vld [tilespmem:$0x120];
	_ =	sdelay $0x4  }
0x1ff: {  	v5 =	vshll.u32 v4, $0x3  }
0x200: {  	v4 =	vand.u32 $0x7F, v4;
	v5 =	vand.u32 $0xFFFFFC00, v5  }
0x201: {  	v4 =	vor.u32 v4, v5  }
0x202: {  	v4 =	vadd.s32 v1, v4;
	_ =	sdelay $0x4  }
0x203: {  	[tilespmem:v4+s22+$0x0] =	vst.idx.msk $0xffff, v0  }
0x204: {  	v4 =	vld [tilespmem:$0x130];
	_ =	sdelay $0x4  }
0x205: {  	v5 =	vshll.u32 v4, $0x3  }
0x206: {  	v4 =	vand.u32 $0x7F, v4;
	v5 =	vand.u32 $0xFFFFFC00, v5  }
0x207: {  	v4 =	vor.u32 v4, v5  }
0x208: {  	v4 =	vadd.s32 v3, v4;
	_ =	sdelay $0x4  }
0x209: {  	[tilespmem:v4+s22+$0x0] =	vst.idx.msk $0xffff, v0  }
0x20a: {  	v4 =	vld [tilespmem:$0x180];
	_ =	sdelay $0x4  }
0x20b: {  	v5 =	vshll.u32 v4, $0x3  }
0x20c: {  	v4 =	vand.u32 $0x7F, v4;
	v5 =	vand.u32 $0xFFFFFC00, v5  }
0x20d: {  	v4 =	vor.u32 v4, v5  }
0x20e: {  	v4 =	vadd.s32 v1, v4;
	_ =	sdelay $0x4  }
0x20f: {  	[tilespmem:v4+s22+$0x0] =	vst.idx.msk $0xffff, v2  }
0x210: {  	v4 =	vld [tilespmem:$0x190];
	_ =	sdelay $0x4  }
0x211: {  	v5 =	vshll.u32 v4, $0x3  }
0x212: {  	v4 =	vand.u32 $0x7F, v4;
	v5 =	vand.u32 $0xFFFFFC00, v5  }
0x213: {  	v4 =	vor.u32 v4, v5  }
0x214: {  	v4 =	vadd.s32 v3, v4;
	_ =	sdelay $0x4  }
0x215: {  	[tilespmem:v4+s22+$0x0] =	vst.idx.msk $0xffff, v2  }
0x216: {  	[hbm4b:s16+s2] =	stream.linear.scatter [tilespmem:s22], [sflag:$0x1], $0x8000, $0x38;
	[tilespmem:$0x18200] =	vst v63  }
0x217: {  	_ =	swait.ge [sflag:s26], $0x8000  }
0x218: {  	[sflag:s26] =	ssyncset.done $0x0  }
0x219: {  	[sflag:s26] =	ssyncadd.s32 $0xFFFF8000  }
0x21a: {  	v4 =	vld [tilespmem:$0x140];
	_ =	sdelay $0x4  }
0x21b: {  	v5 =	vshll.u32 v4, $0x3  }
0x21c: {  	v4 =	vand.u32 $0x7F, v4;
	v5 =	vand.u32 $0xFFFFFC00, v5  }
0x21d: {  	v4 =	vor.u32 v4, v5  }
0x21e: {  	v4 =	vadd.s32 v1, v4;
	_ =	sdelay $0x4  }
0x21f: {  	[tilespmem:v4+s23+$0x0] =	vst.idx.msk $0xffff, v0  }
0x220: {  	v4 =	vld [tilespmem:$0x150];
	_ =	sdelay $0x4  }
0x221: {  	v5 =	vshll.u32 v4, $0x3  }
0x222: {  	v4 =	vand.u32 $0x7F, v4;
	v5 =	vand.u32 $0xFFFFFC00, v5  }
0x223: {  	v4 =	vor.u32 v4, v5  }
0x224: {  	v4 =	vadd.s32 v3, v4;
	_ =	sdelay $0x4  }
0x225: {  	[tilespmem:v4+s23+$0x0] =	vst.idx.msk $0xffff, v0  }
0x226: {  	v4 =	vld [tilespmem:$0x1A0];
	_ =	sdelay $0x4  }
0x227: {  	v5 =	vshll.u32 v4, $0x3  }
0x228: {  	v4 =	vand.u32 $0x7F, v4;
	v5 =	vand.u32 $0xFFFFFC00, v5  }
0x229: {  	v4 =	vor.u32 v4, v5  }
0x22a: {  	v4 =	vadd.s32 v1, v4;
	_ =	sdelay $0x4  }
0x22b: {  	[tilespmem:v4+s23+$0x0] =	vst.idx.msk $0xffff, v2  }
0x22c: {  	v4 =	vld [tilespmem:$0x1B0];
	_ =	sdelay $0x4  }
0x22d: {  	v5 =	vshll.u32 v4, $0x3  }
0x22e: {  	v4 =	vand.u32 $0x7F, v4;
	v5 =	vand.u32 $0xFFFFFC00, v5  }
0x22f: {  	v4 =	vor.u32 v4, v5  }
0x230: {  	v4 =	vadd.s32 v3, v4;
	_ =	sdelay $0x4  }
0x231: {  	[tilespmem:v4+s23+$0x0] =	vst.idx.msk $0xffff, v2  }
0x232: {  	[hbm4b:s17+s2] =	stream.linear.scatter [tilespmem:s23], [sflag:$0x2], $0x8000, $0x38;
	[tilespmem:$0x18200] =	vst v63  }
0x233: {  	_ =	swait.ge [sflag:s28], $0x8000  }
0x234: {  	[sflag:s28] =	ssyncset.done $0x0  }
0x235: {  	[sflag:s28] =	ssyncadd.s32 $0xFFFF8000  }
0x236: {  	v4 =	vld [tilespmem:$0x160];
	_ =	sdelay $0x4  }
0x237: {  	v5 =	vshll.u32 v4, $0x3  }
0x238: {  	v4 =	vand.u32 $0x7F, v4;
	v5 =	vand.u32 $0xFFFFFC00, v5  }
0x239: {  	v4 =	vor.u32 v4, v5  }
0x23a: {  	v4 =	vadd.s32 v1, v4;
	_ =	sdelay $0x4  }
0x23b: {  	[tilespmem:v4+s24+$0x0] =	vst.idx.msk $0xffff, v0  }
0x23c: {  	v4 =	vld [tilespmem:$0x170];
	_ =	sdelay $0x4  }
0x23d: {  	v5 =	vshll.u32 v4, $0x3  }
0x23e: {  	v4 =	vand.u32 $0x7F, v4;
	v5 =	vand.u32 $0xFFFFFC00, v5  }
0x23f: {  	v4 =	vor.u32 v4, v5  }
0x240: {  	v4 =	vadd.s32 v3, v4;
	_ =	sdelay $0x4  }
0x241: {  	[tilespmem:v4+s24+$0x0] =	vst.idx.msk $0xffff, v0  }
0x242: {  	v4 =	vld [tilespmem:$0x1C0];
	_ =	sdelay $0x4  }
0x243: {  	v5 =	vshll.u32 v4, $0x3  }
0x244: {  	v4 =	vand.u32 $0x7F, v4;
	v5 =	vand.u32 $0xFFFFFC00, v5  }
0x245: {  	v4 =	vor.u32 v4, v5  }
0x246: {  	v4 =	vadd.s32 v1, v4;
	_ =	sdelay $0x4  }
0x247: {  	[tilespmem:v4+s24+$0x0] =	vst.idx.msk $0xffff, v2  }
0x248: {  	v4 =	vld [tilespmem:$0x1D0];
	_ =	sdelay $0x4  }
0x249: {  	v5 =	vshll.u32 v4, $0x3  }
0x24a: {  	v4 =	vand.u32 $0x7F, v4;
	v5 =	vand.u32 $0xFFFFFC00, v5  }
0x24b: {  	v4 =	vor.u32 v4, v5  }
0x24c: {  	v4 =	vadd.s32 v3, v4;
	_ =	sdelay $0x4  }
0x24d: {  	[tilespmem:v4+s24+$0x0] =	vst.idx.msk $0xffff, v2  }
0x24e: {  	[hbm4b:s18+s2] =	stream.linear.scatter [tilespmem:s24], [sflag:$0x3], $0x8000, $0x38;
	[tilespmem:$0x18200] =	vst v63  }
0x24f: {  	_ =	swait.ge [sflag:s25], $0x8000  }
0x250: {  	[sflag:s25] =	ssyncset.done $0x0  }
0x251: {  	[sflag:s25] =	ssyncadd.s32 $0xFFFF8000  }
0x252: {  	v4 =	vld [tilespmem:$0x180];
	_ =	sdelay $0x4  }
0x253: {  	v5 =	vshll.u32 v4, $0x3  }
0x254: {  	v4 =	vand.u32 $0x7F, v4;
	v5 =	vand.u32 $0xFFFFFC00, v5  }
0x255: {  	v4 =	vor.u32 v4, v5  }
0x256: {  	v4 =	vadd.s32 v1, v4;
	_ =	sdelay $0x4  }
0x257: {  	[tilespmem:v4+s22+$0x0] =	vst.idx.msk $0xffff, v0  }
0x258: {  	v4 =	vld [tilespmem:$0x190];
	_ =	sdelay $0x4  }
0x259: {  	v5 =	vshll.u32 v4, $0x3  }
0x25a: {  	v4 =	vand.u32 $0x7F, v4;
	v5 =	vand.u32 $0xFFFFFC00, v5  }
0x25b: {  	v4 =	vor.u32 v4, v5  }
0x25c: {  	v4 =	vadd.s32 v3, v4;
	_ =	sdelay $0x4  }
0x25d: {  	[tilespmem:v4+s22+$0x0] =	vst.idx.msk $0xffff, v0  }
0x25e: {  	v4 =	vld [tilespmem:$0x1E0];
	_ =	sdelay $0x4  }
0x25f: {  	v5 =	vshll.u32 v4, $0x3  }
0x260: {  	v4 =	vand.u32 $0x7F, v4;
	v5 =	vand.u32 $0xFFFFFC00, v5  }
0x261: {  	v4 =	vor.u32 v4, v5  }
0x262: {  	v4 =	vadd.s32 v1, v4;
	_ =	sdelay $0x4  }
0x263: {  	[tilespmem:v4+s22+$0x0] =	vst.idx.msk $0xffff, v2  }
0x264: {  	v4 =	vld [tilespmem:$0x1F0];
	_ =	sdelay $0x4  }
0x265: {  	v5 =	vshll.u32 v4, $0x3  }
0x266: {  	v4 =	vand.u32 $0x7F, v4;
	v5 =	vand.u32 $0xFFFFFC00, v5  }
0x267: {  	v4 =	vor.u32 v4, v5  }
0x268: {  	v4 =	vadd.s32 v3, v4;
	_ =	sdelay $0x4  }
0x269: {  	[tilespmem:v4+s22+$0x0] =	vst.idx.msk $0xffff, v2  }
0x26a: {  	[hbm4b:s19+s2] =	stream.linear.scatter [tilespmem:s22], [sflag:$0x1], $0x8000, $0x38;
	[tilespmem:$0x18200] =	vst v63  }
0x26b: {  	_ =	swait.ge [sflag:s26], $0x8000  }
0x26c: {  	[sflag:s26] =	ssyncset.done $0x0  }
0x26d: {  	s29 =	sadd.s32 $0x1, s29;
	[sflag:s26] =	ssyncadd.s32 $0xFFFF8000  }
0x26e: {  	p0 =	sne.s32 s29, s20;
	_ =	swait.ge [sflag:s28], $0x8000  }
.Ltmp1:
0x26f: {  	[sflag:s28] =	ssyncset.done $0x0;
	(pc) =	sbr.rel @p0 .LBB2_1-.Ltmp1, $4  }
0x270: {  	[sflag:s28] =	ssyncadd.s32 $0xFFFF8000  }
0x271: {  	_ =	swait.ge [sflag:s25], $0x8000  }
0x272: {  	[sflag:s25] =	ssyncset.done $0x0  }
0x273: {  	[sflag:s25] =	ssyncadd.s32 $0xFFFF8000  }
0x274: {  	_ =	sfence.sel $0x180000  }
0x275: {  	[bflag:$0x0] =	sbarrier.arrive $0xFFFF  }
0x276: {  	_ =	strace $0x90000047  }
0x277: {  	s0 =	stileid.u32;
	[bflag:$0x2] =	sbarrier.arrive $0xFFFF  }
0x278: {  	p0 =	sne.s32 s0, $0x0;
	s0 =	rddreg [dreg:$0x2]  }
0x279: {  	s0 =	sadd.s32 @!p0 $0x100000, s0  }
0x27a: {  	[sflag:s0] =	ssyncadd.tile.s32 @!p0 $0x1;
	_ =	shalt  }
.Lfunc_end2:
_tile_overlayer_lowered:
.L_overlay_start_2:
0x27b: {  	(tag) =	ssettag $0x2  }
0x27c: {  	s0 =	rddreg [dreg:$0x0];
	s2 =	stileid.u32  }
0x27d: {  	s1 =	rddreg [dreg:$0x1];
	p0 =	sne.s32 s2, $0x0  }
0x27e: {  	s3 =	rddreg [dreg:$0x2];
	[bflag:$0x3] =	sbarrier.arrive $0xFFFF;
	s2 =	simm.s32 @!p0 $0x1C04  }
0x27f: {  	[timem:s3], [sflag:s2] =	dma.local @!p0 [hbm:s0], s1  }
0x280: {  	s0 =	simm.s32 @!p0 $0x4  }
0x281: {  	_ =	swait.ge @!p0 [sflag:s0], s1  }
0x282: {  	s1 =	ssub.s32 @!p0 $0x0, s1;
	[sflag:s0] =	ssyncset.done @!p0 $0x0  }
0x283: {  	[sflag:s0] =	ssyncadd.s32 @!p0 s1  }
0x284: {  	[bflag:$0x3] =	sbarrier.arrive $0xFFFF  }
0x285: {  	_ =	shalt  }

</sc_bundles>
